<compile_context>
chip_gen: v7x
topology: tpu7x:2x2x1
jax: 0.10.2.dev20260603
libtpu: 0.0.44.dev20260713+nightly
codegen_flags: <defaults>
</compile_context>

<pallas_src>
import functools

import jax
import jax.numpy as jnp
from jax import lax
from jax.experimental import pallas as pl
from jax.experimental.pallas import tpu as pltpu
from jax.experimental.pallas import tpu_sc as plsc

B = 16384
DU = 64
DI = 32
FU = 128
FI = 128
FC = 128
NUM_TASKS = 4
CROSS_OUT = 128
VOCAB = 1000000

NC = 2
NS = 16
NW = NC * NS
BPW = B // NW
IDX_CHUNK = 128

VB = 32768
NBLK = -(-VOCAB // VB)
LB = VB // 128
NLINES = NBLK * LB
VFLAT = NLINES * 128

BB = 2048


def _pack_body(utabT, itabT, wt, *outs):
    au = wt[0:DU, :]
    ai = wt[2 * DU:2 * DU + DI, :]
    tn = (((0,), (0,)), ((), ()))
    pu = lax.dot_general(au, utabT[...], tn,
                         preferred_element_type=jnp.float32)
    pi = lax.dot_general(ai, itabT[...], tn,
                         preferred_element_type=jnp.float32)
    for t in range(NUM_TASKS):
        outs[t][...] = pu[t:t + 1, :].reshape(LB, 128)
        outs[NUM_TASKS + t][...] = pi[t:t + 1, :].reshape(LB, 128)


def _pack_call(utabT, itabT, wt):
    return pl.pallas_call(
        _pack_body,
        grid=(NBLK,),
        in_specs=[
            pl.BlockSpec((DU, VB), lambda i: (0, i)),
            pl.BlockSpec((DI, VB), lambda i: (0, i)),
            pl.BlockSpec(wt.shape, lambda i: (0, 0)),
        ],
        out_specs=[pl.BlockSpec((LB, 128), lambda i: (i, 0))] * 8,
        out_shape=[jax.ShapeDtypeStruct((NLINES, 128), jnp.float32)] * 8,
    )(utabT, itabT, wt)


def _sc_gather_body(pu0, pu1, pu2, pu3, pi0, pi1, pi2, pi3, uid, iid,
                    peT_out, ulv, ilv, gu, gi, pe, sem):
    wid = lax.axis_index("s") * NC + lax.axis_index("c")
    base = wid * BPW
    pltpu.sync_copy(uid.at[pl.ds(base, BPW)], ulv)
    pltpu.sync_copy(iid.at[pl.ds(base, BPW)], ilv)

    pus = (pu0, pu1, pu2, pu3)
    pis = (pi0, pi1, pi2, pi3)
    for t in range(NUM_TASKS):
        for c in range(BPW // IDX_CHUNK):
            s = pl.ds(c * IDX_CHUNK, IDX_CHUNK)
            pltpu.async_copy(pus[t].at[ulv.at[s]], gu.at[t, s], sem)
            pltpu.async_copy(pis[t].at[ilv.at[s]], gi.at[t, s], sem)
    for t in range(NUM_TASKS):
        pltpu.make_async_copy(pus[t].at[pl.ds(0, BPW)], gu.at[t], sem).wait()
        pltpu.make_async_copy(pis[t].at[pl.ds(0, BPW)], gi.at[t], sem).wait()

    def accum(k, carry):
        s = pl.ds(k * 16, 16)
        for t in range(NUM_TASKS):
            pe[t, s] = gu[t, s] + gi[t, s]
        return carry
    lax.fori_loop(0, BPW // 16, accum, 0)

    pltpu.sync_copy(pe, peT_out.at[:, pl.ds(base, BPW)])


_sc_gather = pl.kernel(
    _sc_gather_body,
    out_type=jax.ShapeDtypeStruct((NUM_TASKS, B), jnp.float32),
    mesh=plsc.VectorSubcoreMesh(core_axis_name="c", subcore_axis_name="s"),
    compiler_params=pltpu.CompilerParams(needs_layout_passes=False),
    scratch_types=[
        pltpu.VMEM((BPW,), jnp.int32),
        pltpu.VMEM((BPW,), jnp.int32),
        pltpu.VMEM((NUM_TASKS, BPW), jnp.float32),
        pltpu.VMEM((NUM_TASKS, BPW), jnp.float32),
        pltpu.VMEM((NUM_TASKS, BPW), jnp.float32),
        pltpu.SemaphoreType.DMA,
    ],
)


def _dense_body(uf, itf, cf, wu, wi, wc, wt, bu, bi, bc, out):
    f32 = jnp.float32
    dot = functools.partial(jnp.dot, preferred_element_type=f32)
    uft = dot(uf[...], wu[...]) + bu[...]
    ift = dot(itf[...], wi[...]) + bi[...]
    cft = dot(cf[...], wc[...]) + bc[...]
    wt_all = wt[...]
    acc = dot(uft, wt_all[DU:2 * DU, :])
    acc += dot(ift, wt_all[2 * DU + DI:2 * DU + 2 * DI, :])
    acc += dot(cft, wt_all[2 * DU + 2 * DI:, :])
    out[...] = acc


def _dense_call(uf, itf, cf, wu, wi, wc, wt, bu, bi, bc):
    grid = (B // BB,)
    row_blk = lambda w: pl.BlockSpec((BB, w), lambda i: (i, 0))
    full = lambda a: pl.BlockSpec(a.shape, lambda i: tuple(0 for _ in a.shape))
    return pl.pallas_call(
        _dense_body,
        grid=grid,
        in_specs=[
            row_blk(FU), row_blk(FI), row_blk(FC),
            full(wu), full(wi), full(wc), full(wt),
            full(bu), full(bi), full(bc),
        ],
        out_specs=pl.BlockSpec((BB, NUM_TASKS), lambda i: (i, 0)),
        out_shape=jax.ShapeDtypeStruct((B, NUM_TASKS), jnp.float32),
    )(uf, itf, cf, wu, wi, wc, wt, bu, bi, bc)


def _final_body(acc, peT, bt, out):
    tn = (((0,), (0,)), ((), ()))
    eye = jnp.eye(NUM_TASKS, NUM_TASKS, dtype=jnp.float32)
    out[...] = acc[...] + lax.dot_general(
        peT[...], eye, tn, preferred_element_type=jnp.float32) + bt[...]


def _final_call(acc, peT, bt):
    full = lambda a: pl.BlockSpec(a.shape, lambda i: tuple(0 for _ in a.shape))
    return pl.pallas_call(
        _final_body,
        grid=(1,),
        in_specs=[full(acc), full(peT), full(bt)],
        out_specs=pl.BlockSpec((B, NUM_TASKS), lambda i: (0, 0)),
        out_shape=jax.ShapeDtypeStruct((B, NUM_TASKS), jnp.float32),
    )(acc, peT, bt)


def kernel(user_id, user_features, item_id, item_features, cross_features,
           position, user_table, item_table, W_u, b_u, W_i, b_i, W_c, b_c,
           W_t, b_t):
    lines = _pack_call(user_table.T, item_table.T, W_t)
    flats = [a.reshape(VFLAT) for a in lines]
    peT = _sc_gather(*flats, user_id, item_id)
    acc = _dense_call(
        user_features, item_features, cross_features,
        W_u, W_i, W_c, W_t,
        b_u.reshape(1, DU), b_i.reshape(1, DI), b_c.reshape(1, CROSS_OUT))
    return _final_call(acc, peT, b_t.reshape(1, NUM_TASKS))

# --- scband reference (transcript-rebuilt; emitter-appended) ---
"""Pipeline reference for scband-multi-task-estimator-21174188769609 (READ-ONLY COPY).

The authoritative reference and input builder live on the scoring server;
editing this copy changes nothing except your own understanding.
"""

import jax, jax.numpy as jnp
import numpy as np

B = 16384
USER_VOCAB = 1000000
DU = 64
ITEM_VOCAB = 1000000
DI = 32
FU = 128
FI = 128
FC = 128
NUM_TASKS = 4
CROSS_OUT = 128
COMBINED = 2 * DU + 2 * DI + CROSS_OUT


def setup_inputs(seed: int = 0) -> dict:
    key = jax.random.key(seed)
    ks = jax.random.split(key, 16)
    user_id = jax.random.randint(ks[0], (B,), 0, USER_VOCAB, dtype=jnp.int32)
    user_features = jax.random.normal(ks[1], (B, FU), dtype=jnp.float32)
    item_id = jax.random.randint(ks[2], (B,), 0, ITEM_VOCAB, dtype=jnp.int32)
    item_features = jax.random.normal(ks[3], (B, FI), dtype=jnp.float32)
    cross_features = jax.random.normal(ks[4], (B, FC), dtype=jnp.float32)
    position = jax.random.randint(ks[5], (B,), 0, 100, dtype=jnp.int32)
    user_table = jax.random.normal(ks[6], (USER_VOCAB, DU), dtype=jnp.float32) * 0.02
    item_table = jax.random.normal(ks[7], (ITEM_VOCAB, DI), dtype=jnp.float32) * 0.02
    W_u = jax.random.normal(ks[8], (FU, DU), dtype=jnp.float32) * (1.0 / np.sqrt(FU))
    b_u = jnp.zeros((DU,), dtype=jnp.float32)
    W_i = jax.random.normal(ks[9], (FI, DI), dtype=jnp.float32) * (1.0 / np.sqrt(FI))
    b_i = jnp.zeros((DI,), dtype=jnp.float32)
    W_c = jax.random.normal(ks[10], (FC, CROSS_OUT), dtype=jnp.float32) * (1.0 / np.sqrt(FC))
    b_c = jnp.zeros((CROSS_OUT,), dtype=jnp.float32)
    W_t = jax.random.normal(ks[11], (COMBINED, NUM_TASKS), dtype=jnp.float32) * (1.0 / np.sqrt(COMBINED))
    b_t = jnp.zeros((NUM_TASKS,), dtype=jnp.float32)
    return {
        "user_id": user_id,
        "user_features": user_features,
        "item_id": item_id,
        "item_features": item_features,
        "cross_features": cross_features,
        "position": position,
        "user_table": user_table,
        "item_table": item_table,
        "W_u": W_u,
        "b_u": b_u,
        "W_i": W_i,
        "b_i": b_i,
        "W_c": W_c,
        "b_c": b_c,
        "W_t": W_t,
        "b_t": b_t,
    }


def reference(user_id, user_features, item_id, item_features, cross_features, position,
              user_table, item_table, W_u, b_u, W_i, b_i, W_c, b_c, W_t, b_t):
    # embedding lookups (gather)
    user_embedding = jnp.take(user_table, user_id, axis=0)
    item_embedding = jnp.take(item_table, item_id, axis=0)
    # dense feature transforms
    user_features_transformed = user_features @ W_u + b_u
    item_features_transformed = item_features @ W_i + b_i
    cross_features_transformed = cross_features @ W_c + b_c
    combined_features = jnp.concatenate([
        user_embedding,
        user_features_transformed,
        item_embedding,
        item_features_transformed,
        cross_features_transformed,
    ], axis=1)
    ui_logits = combined_features @ W_t + b_t
    return ui_logits

if __name__ == "__main__":
    import jax
    _d = setup_inputs()
    print(jax.jit(kernel)(*tuple(_d.values())))

</pallas_src>

<mosaic_0001>
#map = affine_map<(d0, d1) -> (0)>
#map1 = affine_map<(d0, d1) -> (0, 0)>
module attributes {stable_mosaic.version = 14 : i64} {
  func.func @_sc_gather_body(%arg0: i32, %arg1: i32, %arg2: memref<1015808xf32, #tpu.memory_space<hbm>>, %arg3: memref<1015808xf32, #tpu.memory_space<hbm>>, %arg4: memref<1015808xf32, #tpu.memory_space<hbm>>, %arg5: memref<1015808xf32, #tpu.memory_space<hbm>>, %arg6: memref<1015808xf32, #tpu.memory_space<hbm>>, %arg7: memref<1015808xf32, #tpu.memory_space<hbm>>, %arg8: memref<1015808xf32, #tpu.memory_space<hbm>>, %arg9: memref<1015808xf32, #tpu.memory_space<hbm>>, %arg10: memref<16384xi32, #tpu.memory_space<hbm>>, %arg11: memref<16384xi32, #tpu.memory_space<hbm>>, %arg12: memref<4x16384xf32, #tpu.memory_space<hbm>>, %arg13: memref<512xi32, #tpu.memory_space<vmem>>, %arg14: memref<512xi32, #tpu.memory_space<vmem>>, %arg15: memref<4x512xf32, #tpu.memory_space<vmem>>, %arg16: memref<4x512xf32, #tpu.memory_space<vmem>>, %arg17: memref<4x512xf32, #tpu.memory_space<vmem>>, %arg18: memref<!tpu.dma_semaphore, #tpu.memory_space<semaphore_mem>>) attributes {dimension_semantics = [#tpu.dimension_semantics<core_parallel>, #tpu.dimension_semantics<subcore_parallel>], iteration_bounds = array<i64: 2, 16>, scalar_prefetch = 0 : i64, scratch_operands = 6 : i64, tpu.core_type = #tpu.core_type<sc_vector_subcore>, window_params = [{transform_indices = #map}, {transform_indices = #map}, {transform_indices = #map}, {transform_indices = #map}, {transform_indices = #map}, {transform_indices = #map}, {transform_indices = #map}, {transform_indices = #map}, {transform_indices = #map}, {transform_indices = #map}, {transform_indices = #map1}]} {
    %mul3A = arith.constant 2 : i32
    %mul3A_0 = arith.muli %arg1, %mul3A : i32
    %add3A = arith.addi %mul3A_0, %arg0 : i32
    %mul3A_1 = arith.constant 512 : i32
    %mul3A_2 = arith.muli %add3A, %mul3A_1 : i32
    "tpu.region"() ({
      %run_scoped3A = tpu.sem_alloc : memref<!tpu.dma_semaphore, #tpu.memory_space<semaphore_mem>>
      %dma_start3A_350 = tpu.memref_slice %arg10[%mul3A_2] : memref<16384xi32, #tpu.memory_space<hbm>> -> memref<512xi32, #tpu.memory_space<hbm>>
      %dma_start3A_351 = tpu.memref_slice %arg10[%mul3A_2] : memref<16384xi32, #tpu.memory_space<hbm>> -> memref<512xi32, #tpu.memory_space<hbm>>
      tpu.enqueue_dma source(%dma_start3A_351 : memref<512xi32, #tpu.memory_space<hbm>>) target(%arg13 : memref<512xi32, #tpu.memory_space<vmem>>) target_semaphore(%run_scoped3A : memref<!tpu.dma_semaphore, #tpu.memory_space<semaphore_mem>>)
      %dma_wait3A_352 = tpu.memref_slice %arg10[%mul3A_2] : memref<16384xi32, #tpu.memory_space<hbm>> -> memref<512xi32, #tpu.memory_space<hbm>>
      %dma_wait3A_353 = tpu.memref_slice %arg10[%mul3A_2] : memref<16384xi32, #tpu.memory_space<hbm>> -> memref<512xi32, #tpu.memory_space<hbm>>
      tpu.wait_dma2 semaphore(%run_scoped3A : memref<!tpu.dma_semaphore, #tpu.memory_space<semaphore_mem>>) src(%dma_wait3A_353 : memref<512xi32, #tpu.memory_space<hbm>>) dst(%arg13 : memref<512xi32, #tpu.memory_space<vmem>>)
      tpu.yield
    }) : () -> ()
    "tpu.region"() ({
      %run_scoped3A = tpu.sem_alloc : memref<!tpu.dma_semaphore, #tpu.memory_space<semaphore_mem>>
      %dma_start3A_350 = tpu.memref_slice %arg11[%mul3A_2] : memref<16384xi32, #tpu.memory_space<hbm>> -> memref<512xi32, #tpu.memory_space<hbm>>
      %dma_start3A_351 = tpu.memref_slice %arg11[%mul3A_2] : memref<16384xi32, #tpu.memory_space<hbm>> -> memref<512xi32, #tpu.memory_space<hbm>>
      tpu.enqueue_dma source(%dma_start3A_351 : memref<512xi32, #tpu.memory_space<hbm>>) target(%arg14 : memref<512xi32, #tpu.memory_space<vmem>>) target_semaphore(%run_scoped3A : memref<!tpu.dma_semaphore, #tpu.memory_space<semaphore_mem>>)
      %dma_wait3A_352 = tpu.memref_slice %arg11[%mul3A_2] : memref<16384xi32, #tpu.memory_space<hbm>> -> memref<512xi32, #tpu.memory_space<hbm>>
      %dma_wait3A_353 = tpu.memref_slice %arg11[%mul3A_2] : memref<16384xi32, #tpu.memory_space<hbm>> -> memref<512xi32, #tpu.memory_space<hbm>>
      tpu.wait_dma2 semaphore(%run_scoped3A : memref<!tpu.dma_semaphore, #tpu.memory_space<semaphore_mem>>) src(%dma_wait3A_353 : memref<512xi32, #tpu.memory_space<hbm>>) dst(%arg14 : memref<512xi32, #tpu.memory_space<vmem>>)
      tpu.yield
    }) : () -> ()
    %dma_start3A = arith.constant 0 : i32
    %dma_start3A_3 = arith.constant 0 : i32
    %dma_start3A_4 = tpu.memref_slice %arg15[%dma_start3A, %dma_start3A_3] : memref<4x512xf32, #tpu.memory_space<vmem>> -> memref<1x128xf32, #tpu.memory_space<vmem>>
    %dma_start3A_5 = tpu.memref_squeeze %dma_start3A_4 : memref<1x128xf32, #tpu.memory_space<vmem>> -> memref<128xf32, #tpu.memory_space<vmem>>
    %dma_start3A_6 = arith.constant 0 : i32
    %dma_start3A_7 = tpu.memref_slice %arg13[%dma_start3A_6] : memref<512xi32, #tpu.memory_space<vmem>> -> memref<128xi32, #tpu.memory_space<vmem>>
    %dma_start3A_8 = arith.constant 0 : i32
    %dma_start3A_9 = tpu.memref_slice %arg2[%dma_start3A_8] : memref<1015808xf32, #tpu.memory_space<hbm>> -> memref<1015808xf32, #tpu.memory_space<hbm>>
    tpu.enqueue_indirect_dma source(%dma_start3A_9 : memref<1015808xf32, #tpu.memory_space<hbm>>) target(%dma_start3A_5 : memref<128xf32, #tpu.memory_space<vmem>>) offsets(%dma_start3A_7 : memref<128xi32, #tpu.memory_space<vmem>>) semaphore(%arg18 : memref<!tpu.dma_semaphore, #tpu.memory_space<semaphore_mem>>)
    %dma_start3A_10 = arith.constant 0 : i32
    %dma_start3A_11 = arith.constant 0 : i32
    %dma_start3A_12 = tpu.memref_slice %arg16[%dma_start3A_10, %dma_start3A_11] : memref<4x512xf32, #tpu.memory_space<vmem>> -> memref<1x128xf32, #tpu.memory_space<vmem>>
    %dma_start3A_13 = tpu.memref_squeeze %dma_start3A_12 : memref<1x128xf32, #tpu.memory_space<vmem>> -> memref<128xf32, #tpu.memory_space<vmem>>
    %dma_start3A_14 = arith.constant 0 : i32
    %dma_start3A_15 = tpu.memref_slice %arg14[%dma_start3A_14] : memref<512xi32, #tpu.memory_space<vmem>> -> memref<128xi32, #tpu.memory_space<vmem>>
    %dma_start3A_16 = arith.constant 0 : i32
    %dma_start3A_17 = tpu.memref_slice %arg6[%dma_start3A_16] : memref<1015808xf32, #tpu.memory_space<hbm>> -> memref<1015808xf32, #tpu.memory_space<hbm>>
    tpu.enqueue_indirect_dma source(%dma_start3A_17 : memref<1015808xf32, #tpu.memory_space<hbm>>) target(%dma_start3A_13 : memref<128xf32, #tpu.memory_space<vmem>>) offsets(%dma_start3A_15 : memref<128xi32, #tpu.memory_space<vmem>>) semaphore(%arg18 : memref<!tpu.dma_semaphore, #tpu.memory_space<semaphore_mem>>)
    %dma_start3A_18 = arith.constant 0 : i32
    %dma_start3A_19 = arith.constant 128 : i32
    %dma_start3A_20 = tpu.memref_slice %arg15[%dma_start3A_18, %dma_start3A_19] : memref<4x512xf32, #tpu.memory_space<vmem>> -> memref<1x128xf32, #tpu.memory_space<vmem>>
    %dma_start3A_21 = tpu.memref_squeeze %dma_start3A_20 : memref<1x128xf32, #tpu.memory_space<vmem>> -> memref<128xf32, #tpu.memory_space<vmem>>
    %dma_start3A_22 = arith.constant 128 : i32
    %dma_start3A_23 = tpu.memref_slice %arg13[%dma_start3A_22] : memref<512xi32, #tpu.memory_space<vmem>> -> memref<128xi32, #tpu.memory_space<vmem>>
    %dma_start3A_24 = arith.constant 0 : i32
    %dma_start3A_25 = tpu.memref_slice %arg2[%dma_start3A_24] : memref<1015808xf32, #tpu.memory_space<hbm>> -> memref<1015808xf32, #tpu.memory_space<hbm>>
    tpu.enqueue_indirect_dma source(%dma_start3A_25 : memref<1015808xf32, #tpu.memory_space<hbm>>) target(%dma_start3A_21 : memref<128xf32, #tpu.memory_space<vmem>>) offsets(%dma_start3A_23 : memref<128xi32, #tpu.memory_space<vmem>>) semaphore(%arg18 : memref<!tpu.dma_semaphore, #tpu.memory_space<semaphore_mem>>)
    %dma_start3A_26 = arith.constant 0 : i32
    %dma_start3A_27 = arith.constant 128 : i32
    %dma_start3A_28 = tpu.memref_slice %arg16[%dma_start3A_26, %dma_start3A_27] : memref<4x512xf32, #tpu.memory_space<vmem>> -> memref<1x128xf32, #tpu.memory_space<vmem>>
    %dma_start3A_29 = tpu.memref_squeeze %dma_start3A_28 : memref<1x128xf32, #tpu.memory_space<vmem>> -> memref<128xf32, #tpu.memory_space<vmem>>
    %dma_start3A_30 = arith.constant 128 : i32
    %dma_start3A_31 = tpu.memref_slice %arg14[%dma_start3A_30] : memref<512xi32, #tpu.memory_space<vmem>> -> memref<128xi32, #tpu.memory_space<vmem>>
    %dma_start3A_32 = arith.constant 0 : i32
    %dma_start3A_33 = tpu.memref_slice %arg6[%dma_start3A_32] : memref<1015808xf32, #tpu.memory_space<hbm>> -> memref<1015808xf32, #tpu.memory_space<hbm>>
    tpu.enqueue_indirect_dma source(%dma_start3A_33 : memref<1015808xf32, #tpu.memory_space<hbm>>) target(%dma_start3A_29 : memref<128xf32, #tpu.memory_space<vmem>>) offsets(%dma_start3A_31 : memref<128xi32, #tpu.memory_space<vmem>>) semaphore(%arg18 : memref<!tpu.dma_semaphore, #tpu.memory_space<semaphore_mem>>)
    %dma_start3A_34 = arith.constant 0 : i32
    %dma_start3A_35 = arith.constant 256 : i32
    %dma_start3A_36 = tpu.memref_slice %arg15[%dma_start3A_34, %dma_start3A_35] : memref<4x512xf32, #tpu.memory_space<vmem>> -> memref<1x128xf32, #tpu.memory_space<vmem>>
    %dma_start3A_37 = tpu.memref_squeeze %dma_start3A_36 : memref<1x128xf32, #tpu.memory_space<vmem>> -> memref<128xf32, #tpu.memory_space<vmem>>
    %dma_start3A_38 = arith.constant 256 : i32
    %dma_start3A_39 = tpu.memref_slice %arg13[%dma_start3A_38] : memref<512xi32, #tpu.memory_space<vmem>> -> memref<128xi32, #tpu.memory_space<vmem>>
    %dma_start3A_40 = arith.constant 0 : i32
    %dma_start3A_41 = tpu.memref_slice %arg2[%dma_start3A_40] : memref<1015808xf32, #tpu.memory_space<hbm>> -> memref<1015808xf32, #tpu.memory_space<hbm>>
    tpu.enqueue_indirect_dma source(%dma_start3A_41 : memref<1015808xf32, #tpu.memory_space<hbm>>) target(%dma_start3A_37 : memref<128xf32, #tpu.memory_space<vmem>>) offsets(%dma_start3A_39 : memref<128xi32, #tpu.memory_space<vmem>>) semaphore(%arg18 : memref<!tpu.dma_semaphore, #tpu.memory_space<semaphore_mem>>)
    %dma_start3A_42 = arith.constant 0 : i32
    %dma_start3A_43 = arith.constant 256 : i32
    %dma_start3A_44 = tpu.memref_slice %arg16[%dma_start3A_42, %dma_start3A_43] : memref<4x512xf32, #tpu.memory_space<vmem>> -> memref<1x128xf32, #tpu.memory_space<vmem>>
    %dma_start3A_45 = tpu.memref_squeeze %dma_start3A_44 : memref<1x128xf32, #tpu.memory_space<vmem>> -> memref<128xf32, #tpu.memory_space<vmem>>
    %dma_start3A_46 = arith.constant 256 : i32
    %dma_start3A_47 = tpu.memref_slice %arg14[%dma_start3A_46] : memref<512xi32, #tpu.memory_space<vmem>> -> memref<128xi32, #tpu.memory_space<vmem>>
    %dma_start3A_48 = arith.constant 0 : i32
    %dma_start3A_49 = tpu.memref_slice %arg6[%dma_start3A_48] : memref<1015808xf32, #tpu.memory_space<hbm>> -> memref<1015808xf32, #tpu.memory_space<hbm>>
    tpu.enqueue_indirect_dma source(%dma_start3A_49 : memref<1015808xf32, #tpu.memory_space<hbm>>) target(%dma_start3A_45 : memref<128xf32, #tpu.memory_space<vmem>>) offsets(%dma_start3A_47 : memref<128xi32, #tpu.memory_space<vmem>>) semaphore(%arg18 : memref<!tpu.dma_semaphore, #tpu.memory_space<semaphore_mem>>)
    %dma_start3A_50 = arith.constant 0 : i32
    %dma_start3A_51 = arith.constant 384 : i32
    %dma_start3A_52 = tpu.memref_slice %arg15[%dma_start3A_50, %dma_start3A_51] : memref<4x512xf32, #tpu.memory_space<vmem>> -> memref<1x128xf32, #tpu.memory_space<vmem>>
    %dma_start3A_53 = tpu.memref_squeeze %dma_start3A_52 : memref<1x128xf32, #tpu.memory_space<vmem>> -> memref<128xf32, #tpu.memory_space<vmem>>
    %dma_start3A_54 = arith.constant 384 : i32
    %dma_start3A_55 = tpu.memref_slice %arg13[%dma_start3A_54] : memref<512xi32, #tpu.memory_space<vmem>> -> memref<128xi32, #tpu.memory_space<vmem>>
    %dma_start3A_56 = arith.constant 0 : i32
    %dma_start3A_57 = tpu.memref_slice %arg2[%dma_start3A_56] : memref<1015808xf32, #tpu.memory_space<hbm>> -> memref<1015808xf32, #tpu.memory_space<hbm>>
    tpu.enqueue_indirect_dma source(%dma_start3A_57 : memref<1015808xf32, #tpu.memory_space<hbm>>) target(%dma_start3A_53 : memref<128xf32, #tpu.memory_space<vmem>>) offsets(%dma_start3A_55 : memref<128xi32, #tpu.memory_space<vmem>>) semaphore(%arg18 : memref<!tpu.dma_semaphore, #tpu.memory_space<semaphore_mem>>)
    %dma_start3A_58 = arith.constant 0 : i32
    %dma_start3A_59 = arith.constant 384 : i32
    %dma_start3A_60 = tpu.memref_slice %arg16[%dma_start3A_58, %dma_start3A_59] : memref<4x512xf32, #tpu.memory_space<vmem>> -> memref<1x128xf32, #tpu.memory_space<vmem>>
    %dma_start3A_61 = tpu.memref_squeeze %dma_start3A_60 : memref<1x128xf32, #tpu.memory_space<vmem>> -> memref<128xf32, #tpu.memory_space<vmem>>
    %dma_start3A_62 = arith.constant 384 : i32
    %dma_start3A_63 = tpu.memref_slice %arg14[%dma_start3A_62] : memref<512xi32, #tpu.memory_space<vmem>> -> memref<128xi32, #tpu.memory_space<vmem>>
    %dma_start3A_64 = arith.constant 0 : i32
    %dma_start3A_65 = tpu.memref_slice %arg6[%dma_start3A_64] : memref<1015808xf32, #tpu.memory_space<hbm>> -> memref<1015808xf32, #tpu.memory_space<hbm>>
    tpu.enqueue_indirect_dma source(%dma_start3A_65 : memref<1015808xf32, #tpu.memory_space<hbm>>) target(%dma_start3A_61 : memref<128xf32, #tpu.memory_space<vmem>>) offsets(%dma_start3A_63 : memref<128xi32, #tpu.memory_space<vmem>>) semaphore(%arg18 : memref<!tpu.dma_semaphore, #tpu.memory_space<semaphore_mem>>)
    %dma_start3A_66 = arith.constant 1 : i32
    %dma_start3A_67 = arith.constant 0 : i32
    %dma_start3A_68 = tpu.memref_slice %arg15[%dma_start3A_66, %dma_start3A_67] : memref<4x512xf32, #tpu.memory_space<vmem>> -> memref<1x128xf32, #tpu.memory_space<vmem>>
    %dma_start3A_69 = tpu.memref_squeeze %dma_start3A_68 : memref<1x128xf32, #tpu.memory_space<vmem>> -> memref<128xf32, #tpu.memory_space<vmem>>
    %dma_start3A_70 = arith.constant 0 : i32
    %dma_start3A_71 = tpu.memref_slice %arg13[%dma_start3A_70] : memref<512xi32, #tpu.memory_space<vmem>> -> memref<128xi32, #tpu.memory_space<vmem>>
    %dma_start3A_72 = arith.constant 0 : i32
    %dma_start3A_73 = tpu.memref_slice %arg3[%dma_start3A_72] : memref<1015808xf32, #tpu.memory_space<hbm>> -> memref<1015808xf32, #tpu.memory_space<hbm>>
    tpu.enqueue_indirect_dma source(%dma_start3A_73 : memref<1015808xf32, #tpu.memory_space<hbm>>) target(%dma_start3A_69 : memref<128xf32, #tpu.memory_space<vmem>>) offsets(%dma_start3A_71 : memref<128xi32, #tpu.memory_space<vmem>>) semaphore(%arg18 : memref<!tpu.dma_semaphore, #tpu.memory_space<semaphore_mem>>)
    %dma_start3A_74 = arith.constant 1 : i32
    %dma_start3A_75 = arith.constant 0 : i32
    %dma_start3A_76 = tpu.memref_slice %arg16[%dma_start3A_74, %dma_start3A_75] : memref<4x512xf32, #tpu.memory_space<vmem>> -> memref<1x128xf32, #tpu.memory_space<vmem>>
    %dma_start3A_77 = tpu.memref_squeeze %dma_start3A_76 : memref<1x128xf32, #tpu.memory_space<vmem>> -> memref<128xf32, #tpu.memory_space<vmem>>
    %dma_start3A_78 = arith.constant 0 : i32
    %dma_start3A_79 = tpu.memref_slice %arg14[%dma_start3A_78] : memref<512xi32, #tpu.memory_space<vmem>> -> memref<128xi32, #tpu.memory_space<vmem>>
    %dma_start3A_80 = arith.constant 0 : i32
    %dma_start3A_81 = tpu.memref_slice %arg7[%dma_start3A_80] : memref<1015808xf32, #tpu.memory_space<hbm>> -> memref<1015808xf32, #tpu.memory_space<hbm>>
    tpu.enqueue_indirect_dma source(%dma_start3A_81 : memref<1015808xf32, #tpu.memory_space<hbm>>) target(%dma_start3A_77 : memref<128xf32, #tpu.memory_space<vmem>>) offsets(%dma_start3A_79 : memref<128xi32, #tpu.memory_space<vmem>>) semaphore(%arg18 : memref<!tpu.dma_semaphore, #tpu.memory_space<semaphore_mem>>)
    %dma_start3A_82 = arith.constant 1 : i32
    %dma_start3A_83 = arith.constant 128 : i32
    %dma_start3A_84 = tpu.memref_slice %arg15[%dma_start3A_82, %dma_start3A_83] : memref<4x512xf32, #tpu.memory_space<vmem>> -> memref<1x128xf32, #tpu.memory_space<vmem>>
    %dma_start3A_85 = tpu.memref_squeeze %dma_start3A_84 : memref<1x128xf32, #tpu.memory_space<vmem>> -> memref<128xf32, #tpu.memory_space<vmem>>
    %dma_start3A_86 = arith.constant 128 : i32
    %dma_start3A_87 = tpu.memref_slice %arg13[%dma_start3A_86] : memref<512xi32, #tpu.memory_space<vmem>> -> memref<128xi32, #tpu.memory_space<vmem>>
    %dma_start3A_88 = arith.constant 0 : i32
    %dma_start3A_89 = tpu.memref_slice %arg3[%dma_start3A_88] : memref<1015808xf32, #tpu.memory_space<hbm>> -> memref<1015808xf32, #tpu.memory_space<hbm>>
    tpu.enqueue_indirect_dma source(%dma_start3A_89 : memref<1015808xf32, #tpu.memory_space<hbm>>) target(%dma_start3A_85 : memref<128xf32, #tpu.memory_space<vmem>>) offsets(%dma_start3A_87 : memref<128xi32, #tpu.memory_space<vmem>>) semaphore(%arg18 : memref<!tpu.dma_semaphore, #tpu.memory_space<semaphore_mem>>)
    %dma_start3A_90 = arith.constant 1 : i32
    %dma_start3A_91 = arith.constant 128 : i32
    %dma_start3A_92 = tpu.memref_slice %arg16[%dma_start3A_90, %dma_start3A_91] : memref<4x512xf32, #tpu.memory_space<vmem>> -> memref<1x128xf32, #tpu.memory_space<vmem>>
    %dma_start3A_93 = tpu.memref_squeeze %dma_start3A_92 : memref<1x128xf32, #tpu.memory_space<vmem>> -> memref<128xf32, #tpu.memory_space<vmem>>
    %dma_start3A_94 = arith.constant 128 : i32
    %dma_start3A_95 = tpu.memref_slice %arg14[%dma_start3A_94] : memref<512xi32, #tpu.memory_space<vmem>> -> memref<128xi32, #tpu.memory_space<vmem>>
    %dma_start3A_96 = arith.constant 0 : i32
    %dma_start3A_97 = tpu.memref_slice %arg7[%dma_start3A_96] : memref<1015808xf32, #tpu.memory_space<hbm>> -> memref<1015808xf32, #tpu.memory_space<hbm>>
    tpu.enqueue_indirect_dma source(%dma_start3A_97 : memref<1015808xf32, #tpu.memory_space<hbm>>) target(%dma_start3A_93 : memref<128xf32, #tpu.memory_space<vmem>>) offsets(%dma_start3A_95 : memref<128xi32, #tpu.memory_space<vmem>>) semaphore(%arg18 : memref<!tpu.dma_semaphore, #tpu.memory_space<semaphore_mem>>)
    %dma_start3A_98 = arith.constant 1 : i32
    %dma_start3A_99 = arith.constant 256 : i32
    %dma_start3A_100 = tpu.memref_slice %arg15[%dma_start3A_98, %dma_start3A_99] : memref<4x512xf32, #tpu.memory_space<vmem>> -> memref<1x128xf32, #tpu.memory_space<vmem>>
    %dma_start3A_101 = tpu.memref_squeeze %dma_start3A_100 : memref<1x128xf32, #tpu.memory_space<vmem>> -> memref<128xf32, #tpu.memory_space<vmem>>
    %dma_start3A_102 = arith.constant 256 : i32
    %dma_start3A_103 = tpu.memref_slice %arg13[%dma_start3A_102] : memref<512xi32, #tpu.memory_space<vmem>> -> memref<128xi32, #tpu.memory_space<vmem>>
    %dma_start3A_104 = arith.constant 0 : i32
    %dma_start3A_105 = tpu.memref_slice %arg3[%dma_start3A_104] : memref<1015808xf32, #tpu.memory_space<hbm>> -> memref<1015808xf32, #tpu.memory_space<hbm>>
    tpu.enqueue_indirect_dma source(%dma_start3A_105 : memref<1015808xf32, #tpu.memory_space<hbm>>) target(%dma_start3A_101 : memref<128xf32, #tpu.memory_space<vmem>>) offsets(%dma_start3A_103 : memref<128xi32, #tpu.memory_space<vmem>>) semaphore(%arg18 : memref<!tpu.dma_semaphore, #tpu.memory_space<semaphore_mem>>)
    %dma_start3A_106 = arith.constant 1 : i32
    %dma_start3A_107 = arith.constant 256 : i32
    %dma_start3A_108 = tpu.memref_slice %arg16[%dma_start3A_106, %dma_start3A_107] : memref<4x512xf32, #tpu.memory_space<vmem>> -> memref<1x128xf32, #tpu.memory_space<vmem>>
    %dma_start3A_109 = tpu.memref_squeeze %dma_start3A_108 : memref<1x128xf32, #tpu.memory_space<vmem>> -> memref<128xf32, #tpu.memory_space<vmem>>
    %dma_start3A_110 = arith.constant 256 : i32
    %dma_start3A_111 = tpu.memref_slice %arg14[%dma_start3A_110] : memref<512xi32, #tpu.memory_space<vmem>> -> memref<128xi32, #tpu.memory_space<vmem>>
    %dma_start3A_112 = arith.constant 0 : i32
    %dma_start3A_113 = tpu.memref_slice %arg7[%dma_start3A_112] : memref<1015808xf32, #tpu.memory_space<hbm>> -> memref<1015808xf32, #tpu.memory_space<hbm>>
    tpu.enqueue_indirect_dma source(%dma_start3A_113 : memref<1015808xf32, #tpu.memory_space<hbm>>) target(%dma_start3A_109 : memref<128xf32, #tpu.memory_space<vmem>>) offsets(%dma_start3A_111 : memref<128xi32, #tpu.memory_space<vmem>>) semaphore(%arg18 : memref<!tpu.dma_semaphore, #tpu.memory_space<semaphore_mem>>)
    %dma_start3A_114 = arith.constant 1 : i32
    %dma_start3A_115 = arith.constant 384 : i32
    %dma_start3A_116 = tpu.memref_slice %arg15[%dma_start3A_114, %dma_start3A_115] : memref<4x512xf32, #tpu.memory_space<vmem>> -> memref<1x128xf32, #tpu.memory_space<vmem>>
    %dma_start3A_117 = tpu.memref_squeeze %dma_start3A_116 : memref<1x128xf32, #tpu.memory_space<vmem>> -> memref<128xf32, #tpu.memory_space<vmem>>
    %dma_start3A_118 = arith.constant 384 : i32
    %dma_start3A_119 = tpu.memref_slice %arg13[%dma_start3A_118] : memref<512xi32, #tpu.memory_space<vmem>> -> memref<128xi32, #tpu.memory_space<vmem>>
    %dma_start3A_120 = arith.constant 0 : i32
    %dma_start3A_121 = tpu.memref_slice %arg3[%dma_start3A_120] : memref<1015808xf32, #tpu.memory_space<hbm>> -> memref<1015808xf32, #tpu.memory_space<hbm>>
    tpu.enqueue_indirect_dma source(%dma_start3A_121 : memref<1015808xf32, #tpu.memory_space<hbm>>) target(%dma_start3A_117 : memref<128xf32, #tpu.memory_space<vmem>>) offsets(%dma_start3A_119 : memref<128xi32, #tpu.memory_space<vmem>>) semaphore(%arg18 : memref<!tpu.dma_semaphore, #tpu.memory_space<semaphore_mem>>)
    %dma_start3A_122 = arith.constant 1 : i32
    %dma_start3A_123 = arith.constant 384 : i32
    %dma_start3A_124 = tpu.memref_slice %arg16[%dma_start3A_122, %dma_start3A_123] : memref<4x512xf32, #tpu.memory_space<vmem>> -> memref<1x128xf32, #tpu.memory_space<vmem>>
    %dma_start3A_125 = tpu.memref_squeeze %dma_start3A_124 : memref<1x128xf32, #tpu.memory_space<vmem>> -> memref<128xf32, #tpu.memory_space<vmem>>
    %dma_start3A_126 = arith.constant 384 : i32
    %dma_start3A_127 = tpu.memref_slice %arg14[%dma_start3A_126] : memref<512xi32, #tpu.memory_space<vmem>> -> memref<128xi32, #tpu.memory_space<vmem>>
    %dma_start3A_128 = arith.constant 0 : i32
    %dma_start3A_129 = tpu.memref_slice %arg7[%dma_start3A_128] : memref<1015808xf32, #tpu.memory_space<hbm>> -> memref<1015808xf32, #tpu.memory_space<hbm>>
    tpu.enqueue_indirect_dma source(%dma_start3A_129 : memref<1015808xf32, #tpu.memory_space<hbm>>) target(%dma_start3A_125 : memref<128xf32, #tpu.memory_space<vmem>>) offsets(%dma_start3A_127 : memref<128xi32, #tpu.memory_space<vmem>>) semaphore(%arg18 : memref<!tpu.dma_semaphore, #tpu.memory_space<semaphore_mem>>)
    %dma_start3A_130 = arith.constant 2 : i32
    %dma_start3A_131 = arith.constant 0 : i32
    %dma_start3A_132 = tpu.memref_slice %arg15[%dma_start3A_130, %dma_start3A_131] : memref<4x512xf32, #tpu.memory_space<vmem>> -> memref<1x128xf32, #tpu.memory_space<vmem>>
    %dma_start3A_133 = tpu.memref_squeeze %dma_start3A_132 : memref<1x128xf32, #tpu.memory_space<vmem>> -> memref<128xf32, #tpu.memory_space<vmem>>
    %dma_start3A_134 = arith.constant 0 : i32
    %dma_start3A_135 = tpu.memref_slice %arg13[%dma_start3A_134] : memref<512xi32, #tpu.memory_space<vmem>> -> memref<128xi32, #tpu.memory_space<vmem>>
    %dma_start3A_136 = arith.constant 0 : i32
    %dma_start3A_137 = tpu.memref_slice %arg4[%dma_start3A_136] : memref<1015808xf32, #tpu.memory_space<hbm>> -> memref<1015808xf32, #tpu.memory_space<hbm>>
    tpu.enqueue_indirect_dma source(%dma_start3A_137 : memref<1015808xf32, #tpu.memory_space<hbm>>) target(%dma_start3A_133 : memref<128xf32, #tpu.memory_space<vmem>>) offsets(%dma_start3A_135 : memref<128xi32, #tpu.memory_space<vmem>>) semaphore(%arg18 : memref<!tpu.dma_semaphore, #tpu.memory_space<semaphore_mem>>)
    %dma_start3A_138 = arith.constant 2 : i32
    %dma_start3A_139 = arith.constant 0 : i32
    %dma_start3A_140 = tpu.memref_slice %arg16[%dma_start3A_138, %dma_start3A_139] : memref<4x512xf32, #tpu.memory_space<vmem>> -> memref<1x128xf32, #tpu.memory_space<vmem>>
    %dma_start3A_141 = tpu.memref_squeeze %dma_start3A_140 : memref<1x128xf32, #tpu.memory_space<vmem>> -> memref<128xf32, #tpu.memory_space<vmem>>
    %dma_start3A_142 = arith.constant 0 : i32
    %dma_start3A_143 = tpu.memref_slice %arg14[%dma_start3A_142] : memref<512xi32, #tpu.memory_space<vmem>> -> memref<128xi32, #tpu.memory_space<vmem>>
    %dma_start3A_144 = arith.constant 0 : i32
    %dma_start3A_145 = tpu.memref_slice %arg8[%dma_start3A_144] : memref<1015808xf32, #tpu.memory_space<hbm>> -> memref<1015808xf32, #tpu.memory_space<hbm>>
    tpu.enqueue_indirect_dma source(%dma_start3A_145 : memref<1015808xf32, #tpu.memory_space<hbm>>) target(%dma_start3A_141 : memref<128xf32, #tpu.memory_space<vmem>>) offsets(%dma_start3A_143 : memref<128xi32, #tpu.memory_space<vmem>>) semaphore(%arg18 : memref<!tpu.dma_semaphore, #tpu.memory_space<semaphore_mem>>)
    %dma_start3A_146 = arith.constant 2 : i32
    %dma_start3A_147 = arith.constant 128 : i32
    %dma_start3A_148 = tpu.memref_slice %arg15[%dma_start3A_146, %dma_start3A_147] : memref<4x512xf32, #tpu.memory_space<vmem>> -> memref<1x128xf32, #tpu.memory_space<vmem>>
    %dma_start3A_149 = tpu.memref_squeeze %dma_start3A_148 : memref<1x128xf32, #tpu.memory_space<vmem>> -> memref<128xf32, #tpu.memory_space<vmem>>
    %dma_start3A_150 = arith.constant 128 : i32
    %dma_start3A_151 = tpu.memref_slice %arg13[%dma_start3A_150] : memref<512xi32, #tpu.memory_space<vmem>> -> memref<128xi32, #tpu.memory_space<vmem>>
    %dma_start3A_152 = arith.constant 0 : i32
    %dma_start3A_153 = tpu.memref_slice %arg4[%dma_start3A_152] : memref<1015808xf32, #tpu.memory_space<hbm>> -> memref<1015808xf32, #tpu.memory_space<hbm>>
    tpu.enqueue_indirect_dma source(%dma_start3A_153 : memref<1015808xf32, #tpu.memory_space<hbm>>) target(%dma_start3A_149 : memref<128xf32, #tpu.memory_space<vmem>>) offsets(%dma_start3A_151 : memref<128xi32, #tpu.memory_space<vmem>>) semaphore(%arg18 : memref<!tpu.dma_semaphore, #tpu.memory_space<semaphore_mem>>)
    %dma_start3A_154 = arith.constant 2 : i32
    %dma_start3A_155 = arith.constant 128 : i32
    %dma_start3A_156 = tpu.memref_slice %arg16[%dma_start3A_154, %dma_start3A_155] : memref<4x512xf32, #tpu.memory_space<vmem>> -> memref<1x128xf32, #tpu.memory_space<vmem>>
    %dma_start3A_157 = tpu.memref_squeeze %dma_start3A_156 : memref<1x128xf32, #tpu.memory_space<vmem>> -> memref<128xf32, #tpu.memory_space<vmem>>
    %dma_start3A_158 = arith.constant 128 : i32
    %dma_start3A_159 = tpu.memref_slice %arg14[%dma_start3A_158] : memref<512xi32, #tpu.memory_space<vmem>> -> memref<128xi32, #tpu.memory_space<vmem>>
    %dma_start3A_160 = arith.constant 0 : i32
    %dma_start3A_161 = tpu.memref_slice %arg8[%dma_start3A_160] : memref<1015808xf32, #tpu.memory_space<hbm>> -> memref<1015808xf32, #tpu.memory_space<hbm>>
    tpu.enqueue_indirect_dma source(%dma_start3A_161 : memref<1015808xf32, #tpu.memory_space<hbm>>) target(%dma_start3A_157 : memref<128xf32, #tpu.memory_space<vmem>>) offsets(%dma_start3A_159 : memref<128xi32, #tpu.memory_space<vmem>>) semaphore(%arg18 : memref<!tpu.dma_semaphore, #tpu.memory_space<semaphore_mem>>)
    %dma_start3A_162 = arith.constant 2 : i32
    %dma_start3A_163 = arith.constant 256 : i32
    %dma_start3A_164 = tpu.memref_slice %arg15[%dma_start3A_162, %dma_start3A_163] : memref<4x512xf32, #tpu.memory_space<vmem>> -> memref<1x128xf32, #tpu.memory_space<vmem>>
    %dma_start3A_165 = tpu.memref_squeeze %dma_start3A_164 : memref<1x128xf32, #tpu.memory_space<vmem>> -> memref<128xf32, #tpu.memory_space<vmem>>
    %dma_start3A_166 = arith.constant 256 : i32
    %dma_start3A_167 = tpu.memref_slice %arg13[%dma_start3A_166] : memref<512xi32, #tpu.memory_space<vmem>> -> memref<128xi32, #tpu.memory_space<vmem>>
    %dma_start3A_168 = arith.constant 0 : i32
    %dma_start3A_169 = tpu.memref_slice %arg4[%dma_start3A_168] : memref<1015808xf32, #tpu.memory_space<hbm>> -> memref<1015808xf32, #tpu.memory_space<hbm>>
    tpu.enqueue_indirect_dma source(%dma_start3A_169 : memref<1015808xf32, #tpu.memory_space<hbm>>) target(%dma_start3A_165 : memref<128xf32, #tpu.memory_space<vmem>>) offsets(%dma_start3A_167 : memref<128xi32, #tpu.memory_space<vmem>>) semaphore(%arg18 : memref<!tpu.dma_semaphore, #tpu.memory_space<semaphore_mem>>)
    %dma_start3A_170 = arith.constant 2 : i32
    %dma_start3A_171 = arith.constant 256 : i32
    %dma_start3A_172 = tpu.memref_slice %arg16[%dma_start3A_170, %dma_start3A_171] : memref<4x512xf32, #tpu.memory_space<vmem>> -> memref<1x128xf32, #tpu.memory_space<vmem>>
    %dma_start3A_173 = tpu.memref_squeeze %dma_start3A_172 : memref<1x128xf32, #tpu.memory_space<vmem>> -> memref<128xf32, #tpu.memory_space<vmem>>
    %dma_start3A_174 = arith.constant 256 : i32
    %dma_start3A_175 = tpu.memref_slice %arg14[%dma_start3A_174] : memref<512xi32, #tpu.memory_space<vmem>> -> memref<128xi32, #tpu.memory_space<vmem>>
    %dma_start3A_176 = arith.constant 0 : i32
    %dma_start3A_177 = tpu.memref_slice %arg8[%dma_start3A_176] : memref<1015808xf32, #tpu.memory_space<hbm>> -> memref<1015808xf32, #tpu.memory_space<hbm>>
    tpu.enqueue_indirect_dma source(%dma_start3A_177 : memref<1015808xf32, #tpu.memory_space<hbm>>) target(%dma_start3A_173 : memref<128xf32, #tpu.memory_space<vmem>>) offsets(%dma_start3A_175 : memref<128xi32, #tpu.memory_space<vmem>>) semaphore(%arg18 : memref<!tpu.dma_semaphore, #tpu.memory_space<semaphore_mem>>)
    %dma_start3A_178 = arith.constant 2 : i32
    %dma_start3A_179 = arith.constant 384 : i32
    %dma_start3A_180 = tpu.memref_slice %arg15[%dma_start3A_178, %dma_start3A_179] : memref<4x512xf32, #tpu.memory_space<vmem>> -> memref<1x128xf32, #tpu.memory_space<vmem>>
    %dma_start3A_181 = tpu.memref_squeeze %dma_start3A_180 : memref<1x128xf32, #tpu.memory_space<vmem>> -> memref<128xf32, #tpu.memory_space<vmem>>
    %dma_start3A_182 = arith.constant 384 : i32
    %dma_start3A_183 = tpu.memref_slice %arg13[%dma_start3A_182] : memref<512xi32, #tpu.memory_space<vmem>> -> memref<128xi32, #tpu.memory_space<vmem>>
    %dma_start3A_184 = arith.constant 0 : i32
    %dma_start3A_185 = tpu.memref_slice %arg4[%dma_start3A_184] : memref<1015808xf32, #tpu.memory_space<hbm>> -> memref<1015808xf32, #tpu.memory_space<hbm>>
    tpu.enqueue_indirect_dma source(%dma_start3A_185 : memref<1015808xf32, #tpu.memory_space<hbm>>) target(%dma_start3A_181 : memref<128xf32, #tpu.memory_space<vmem>>) offsets(%dma_start3A_183 : memref<128xi32, #tpu.memory_space<vmem>>) semaphore(%arg18 : memref<!tpu.dma_semaphore, #tpu.memory_space<semaphore_mem>>)
    %dma_start3A_186 = arith.constant 2 : i32
    %dma_start3A_187 = arith.constant 384 : i32
    %dma_start3A_188 = tpu.memref_slice %arg16[%dma_start3A_186, %dma_start3A_187] : memref<4x512xf32, #tpu.memory_space<vmem>> -> memref<1x128xf32, #tpu.memory_space<vmem>>
    %dma_start3A_189 = tpu.memref_squeeze %dma_start3A_188 : memref<1x128xf32, #tpu.memory_space<vmem>> -> memref<128xf32, #tpu.memory_space<vmem>>
    %dma_start3A_190 = arith.constant 384 : i32
    %dma_start3A_191 = tpu.memref_slice %arg14[%dma_start3A_190] : memref<512xi32, #tpu.memory_space<vmem>> -> memref<128xi32, #tpu.memory_space<vmem>>
    %dma_start3A_192 = arith.constant 0 : i32
    %dma_start3A_193 = tpu.memref_slice %arg8[%dma_start3A_192] : memref<1015808xf32, #tpu.memory_space<hbm>> -> memref<1015808xf32, #tpu.memory_space<hbm>>
    tpu.enqueue_indirect_dma source(%dma_start3A_193 : memref<1015808xf32, #tpu.memory_space<hbm>>) target(%dma_start3A_189 : memref<128xf32, #tpu.memory_space<vmem>>) offsets(%dma_start3A_191 : memref<128xi32, #tpu.memory_space<vmem>>) semaphore(%arg18 : memref<!tpu.dma_semaphore, #tpu.memory_space<semaphore_mem>>)
    %dma_start3A_194 = arith.constant 3 : i32
    %dma_start3A_195 = arith.constant 0 : i32
    %dma_start3A_196 = tpu.memref_slice %arg15[%dma_start3A_194, %dma_start3A_195] : memref<4x512xf32, #tpu.memory_space<vmem>> -> memref<1x128xf32, #tpu.memory_space<vmem>>
    %dma_start3A_197 = tpu.memref_squeeze %dma_start3A_196 : memref<1x128xf32, #tpu.memory_space<vmem>> -> memref<128xf32, #tpu.memory_space<vmem>>
    %dma_start3A_198 = arith.constant 0 : i32
    %dma_start3A_199 = tpu.memref_slice %arg13[%dma_start3A_198] : memref<512xi32, #tpu.memory_space<vmem>> -> memref<128xi32, #tpu.memory_space<vmem>>
    %dma_start3A_200 = arith.constant 0 : i32
    %dma_start3A_201 = tpu.memref_slice %arg5[%dma_start3A_200] : memref<1015808xf32, #tpu.memory_space<hbm>> -> memref<1015808xf32, #tpu.memory_space<hbm>>
    tpu.enqueue_indirect_dma source(%dma_start3A_201 : memref<1015808xf32, #tpu.memory_space<hbm>>) target(%dma_start3A_197 : memref<128xf32, #tpu.memory_space<vmem>>) offsets(%dma_start3A_199 : memref<128xi32, #tpu.memory_space<vmem>>) semaphore(%arg18 : memref<!tpu.dma_semaphore, #tpu.memory_space<semaphore_mem>>)
    %dma_start3A_202 = arith.constant 3 : i32
    %dma_start3A_203 = arith.constant 0 : i32
    %dma_start3A_204 = tpu.memref_slice %arg16[%dma_start3A_202, %dma_start3A_203] : memref<4x512xf32, #tpu.memory_space<vmem>> -> memref<1x128xf32, #tpu.memory_space<vmem>>
    %dma_start3A_205 = tpu.memref_squeeze %dma_start3A_204 : memref<1x128xf32, #tpu.memory_space<vmem>> -> memref<128xf32, #tpu.memory_space<vmem>>
    %dma_start3A_206 = arith.constant 0 : i32
    %dma_start3A_207 = tpu.memref_slice %arg14[%dma_start3A_206] : memref<512xi32, #tpu.memory_space<vmem>> -> memref<128xi32, #tpu.memory_space<vmem>>
    %dma_start3A_208 = arith.constant 0 : i32
    %dma_start3A_209 = tpu.memref_slice %arg9[%dma_start3A_208] : memref<1015808xf32, #tpu.memory_space<hbm>> -> memref<1015808xf32, #tpu.memory_space<hbm>>
    tpu.enqueue_indirect_dma source(%dma_start3A_209 : memref<1015808xf32, #tpu.memory_space<hbm>>) target(%dma_start3A_205 : memref<128xf32, #tpu.memory_space<vmem>>) offsets(%dma_start3A_207 : memref<128xi32, #tpu.memory_space<vmem>>) semaphore(%arg18 : memref<!tpu.dma_semaphore, #tpu.memory_space<semaphore_mem>>)
    %dma_start3A_210 = arith.constant 3 : i32
    %dma_start3A_211 = arith.constant 128 : i32
    %dma_start3A_212 = tpu.memref_slice %arg15[%dma_start3A_210, %dma_start3A_211] : memref<4x512xf32, #tpu.memory_space<vmem>> -> memref<1x128xf32, #tpu.memory_space<vmem>>
    %dma_start3A_213 = tpu.memref_squeeze %dma_start3A_212 : memref<1x128xf32, #tpu.memory_space<vmem>> -> memref<128xf32, #tpu.memory_space<vmem>>
    %dma_start3A_214 = arith.constant 128 : i32
    %dma_start3A_215 = tpu.memref_slice %arg13[%dma_start3A_214] : memref<512xi32, #tpu.memory_space<vmem>> -> memref<128xi32, #tpu.memory_space<vmem>>
    %dma_start3A_216 = arith.constant 0 : i32
    %dma_start3A_217 = tpu.memref_slice %arg5[%dma_start3A_216] : memref<1015808xf32, #tpu.memory_space<hbm>> -> memref<1015808xf32, #tpu.memory_space<hbm>>
    tpu.enqueue_indirect_dma source(%dma_start3A_217 : memref<1015808xf32, #tpu.memory_space<hbm>>) target(%dma_start3A_213 : memref<128xf32, #tpu.memory_space<vmem>>) offsets(%dma_start3A_215 : memref<128xi32, #tpu.memory_space<vmem>>) semaphore(%arg18 : memref<!tpu.dma_semaphore, #tpu.memory_space<semaphore_mem>>)
    %dma_start3A_218 = arith.constant 3 : i32
    %dma_start3A_219 = arith.constant 128 : i32
    %dma_start3A_220 = tpu.memref_slice %arg16[%dma_start3A_218, %dma_start3A_219] : memref<4x512xf32, #tpu.memory_space<vmem>> -> memref<1x128xf32, #tpu.memory_space<vmem>>
    %dma_start3A_221 = tpu.memref_squeeze %dma_start3A_220 : memref<1x128xf32, #tpu.memory_space<vmem>> -> memref<128xf32, #tpu.memory_space<vmem>>
    %dma_start3A_222 = arith.constant 128 : i32
    %dma_start3A_223 = tpu.memref_slice %arg14[%dma_start3A_222] : memref<512xi32, #tpu.memory_space<vmem>> -> memref<128xi32, #tpu.memory_space<vmem>>
    %dma_start3A_224 = arith.constant 0 : i32
    %dma_start3A_225 = tpu.memref_slice %arg9[%dma_start3A_224] : memref<1015808xf32, #tpu.memory_space<hbm>> -> memref<1015808xf32, #tpu.memory_space<hbm>>
    tpu.enqueue_indirect_dma source(%dma_start3A_225 : memref<1015808xf32, #tpu.memory_space<hbm>>) target(%dma_start3A_221 : memref<128xf32, #tpu.memory_space<vmem>>) offsets(%dma_start3A_223 : memref<128xi32, #tpu.memory_space<vmem>>) semaphore(%arg18 : memref<!tpu.dma_semaphore, #tpu.memory_space<semaphore_mem>>)
    %dma_start3A_226 = arith.constant 3 : i32
    %dma_start3A_227 = arith.constant 256 : i32
    %dma_start3A_228 = tpu.memref_slice %arg15[%dma_start3A_226, %dma_start3A_227] : memref<4x512xf32, #tpu.memory_space<vmem>> -> memref<1x128xf32, #tpu.memory_space<vmem>>
    %dma_start3A_229 = tpu.memref_squeeze %dma_start3A_228 : memref<1x128xf32, #tpu.memory_space<vmem>> -> memref<128xf32, #tpu.memory_space<vmem>>
    %dma_start3A_230 = arith.constant 256 : i32
    %dma_start3A_231 = tpu.memref_slice %arg13[%dma_start3A_230] : memref<512xi32, #tpu.memory_space<vmem>> -> memref<128xi32, #tpu.memory_space<vmem>>
    %dma_start3A_232 = arith.constant 0 : i32
    %dma_start3A_233 = tpu.memref_slice %arg5[%dma_start3A_232] : memref<1015808xf32, #tpu.memory_space<hbm>> -> memref<1015808xf32, #tpu.memory_space<hbm>>
    tpu.enqueue_indirect_dma source(%dma_start3A_233 : memref<1015808xf32, #tpu.memory_space<hbm>>) target(%dma_start3A_229 : memref<128xf32, #tpu.memory_space<vmem>>) offsets(%dma_start3A_231 : memref<128xi32, #tpu.memory_space<vmem>>) semaphore(%arg18 : memref<!tpu.dma_semaphore, #tpu.memory_space<semaphore_mem>>)
    %dma_start3A_234 = arith.constant 3 : i32
    %dma_start3A_235 = arith.constant 256 : i32
    %dma_start3A_236 = tpu.memref_slice %arg16[%dma_start3A_234, %dma_start3A_235] : memref<4x512xf32, #tpu.memory_space<vmem>> -> memref<1x128xf32, #tpu.memory_space<vmem>>
    %dma_start3A_237 = tpu.memref_squeeze %dma_start3A_236 : memref<1x128xf32, #tpu.memory_space<vmem>> -> memref<128xf32, #tpu.memory_space<vmem>>
    %dma_start3A_238 = arith.constant 256 : i32
    %dma_start3A_239 = tpu.memref_slice %arg14[%dma_start3A_238] : memref<512xi32, #tpu.memory_space<vmem>> -> memref<128xi32, #tpu.memory_space<vmem>>
    %dma_start3A_240 = arith.constant 0 : i32
    %dma_start3A_241 = tpu.memref_slice %arg9[%dma_start3A_240] : memref<1015808xf32, #tpu.memory_space<hbm>> -> memref<1015808xf32, #tpu.memory_space<hbm>>
    tpu.enqueue_indirect_dma source(%dma_start3A_241 : memref<1015808xf32, #tpu.memory_space<hbm>>) target(%dma_start3A_237 : memref<128xf32, #tpu.memory_space<vmem>>) offsets(%dma_start3A_239 : memref<128xi32, #tpu.memory_space<vmem>>) semaphore(%arg18 : memref<!tpu.dma_semaphore, #tpu.memory_space<semaphore_mem>>)
    %dma_start3A_242 = arith.constant 3 : i32
    %dma_start3A_243 = arith.constant 384 : i32
    %dma_start3A_244 = tpu.memref_slice %arg15[%dma_start3A_242, %dma_start3A_243] : memref<4x512xf32, #tpu.memory_space<vmem>> -> memref<1x128xf32, #tpu.memory_space<vmem>>
    %dma_start3A_245 = tpu.memref_squeeze %dma_start3A_244 : memref<1x128xf32, #tpu.memory_space<vmem>> -> memref<128xf32, #tpu.memory_space<vmem>>
    %dma_start3A_246 = arith.constant 384 : i32
    %dma_start3A_247 = tpu.memref_slice %arg13[%dma_start3A_246] : memref<512xi32, #tpu.memory_space<vmem>> -> memref<128xi32, #tpu.memory_space<vmem>>
    %dma_start3A_248 = arith.constant 0 : i32
    %dma_start3A_249 = tpu.memref_slice %arg5[%dma_start3A_248] : memref<1015808xf32, #tpu.memory_space<hbm>> -> memref<1015808xf32, #tpu.memory_space<hbm>>
    tpu.enqueue_indirect_dma source(%dma_start3A_249 : memref<1015808xf32, #tpu.memory_space<hbm>>) target(%dma_start3A_245 : memref<128xf32, #tpu.memory_space<vmem>>) offsets(%dma_start3A_247 : memref<128xi32, #tpu.memory_space<vmem>>) semaphore(%arg18 : memref<!tpu.dma_semaphore, #tpu.memory_space<semaphore_mem>>)
    %dma_start3A_250 = arith.constant 3 : i32
    %dma_start3A_251 = arith.constant 384 : i32
    %dma_start3A_252 = tpu.memref_slice %arg16[%dma_start3A_250, %dma_start3A_251] : memref<4x512xf32, #tpu.memory_space<vmem>> -> memref<1x128xf32, #tpu.memory_space<vmem>>
    %dma_start3A_253 = tpu.memref_squeeze %dma_start3A_252 : memref<1x128xf32, #tpu.memory_space<vmem>> -> memref<128xf32, #tpu.memory_space<vmem>>
    %dma_start3A_254 = arith.constant 384 : i32
    %dma_start3A_255 = tpu.memref_slice %arg14[%dma_start3A_254] : memref<512xi32, #tpu.memory_space<vmem>> -> memref<128xi32, #tpu.memory_space<vmem>>
    %dma_start3A_256 = arith.constant 0 : i32
    %dma_start3A_257 = tpu.memref_slice %arg9[%dma_start3A_256] : memref<1015808xf32, #tpu.memory_space<hbm>> -> memref<1015808xf32, #tpu.memory_space<hbm>>
    tpu.enqueue_indirect_dma source(%dma_start3A_257 : memref<1015808xf32, #tpu.memory_space<hbm>>) target(%dma_start3A_253 : memref<128xf32, #tpu.memory_space<vmem>>) offsets(%dma_start3A_255 : memref<128xi32, #tpu.memory_space<vmem>>) semaphore(%arg18 : memref<!tpu.dma_semaphore, #tpu.memory_space<semaphore_mem>>)
    %dma_wait3A = arith.constant 0 : i32
    %dma_wait3A_258 = arith.constant 0 : i32
    %dma_wait3A_259 = tpu.memref_slice %arg15[%dma_wait3A, %dma_wait3A_258] : memref<4x512xf32, #tpu.memory_space<vmem>> -> memref<1x512xf32, #tpu.memory_space<vmem>>
    %dma_wait3A_260 = tpu.memref_squeeze %dma_wait3A_259 : memref<1x512xf32, #tpu.memory_space<vmem>> -> memref<512xf32, #tpu.memory_space<vmem>>
    %dma_wait3A_261 = arith.constant 0 : i32
    %dma_wait3A_262 = tpu.memref_slice %arg2[%dma_wait3A_261] : memref<1015808xf32, #tpu.memory_space<hbm>> -> memref<512xf32, #tpu.memory_space<hbm>>
    %dma_wait3A_263 = arith.constant 0 : i32
    %dma_wait3A_264 = tpu.memref_slice %arg15[%dma_wait3A, %dma_wait3A_263] : memref<4x512xf32, #tpu.memory_space<vmem>> -> memref<1x512xf32, #tpu.memory_space<vmem>>
    %dma_wait3A_265 = tpu.memref_squeeze %dma_wait3A_264 : memref<1x512xf32, #tpu.memory_space<vmem>> -> memref<512xf32, #tpu.memory_space<vmem>>
    %dma_wait3A_266 = arith.constant 0 : i32
    %dma_wait3A_267 = tpu.memref_slice %arg2[%dma_wait3A_266] : memref<1015808xf32, #tpu.memory_space<hbm>> -> memref<512xf32, #tpu.memory_space<hbm>>
    tpu.wait_dma2 semaphore(%arg18 : memref<!tpu.dma_semaphore, #tpu.memory_space<semaphore_mem>>) src(%dma_wait3A_267 : memref<512xf32, #tpu.memory_space<hbm>>) dst(%dma_wait3A_265 : memref<512xf32, #tpu.memory_space<vmem>>)
    %dma_wait3A_268 = arith.constant 0 : i32
    %dma_wait3A_269 = arith.constant 0 : i32
    %dma_wait3A_270 = tpu.memref_slice %arg16[%dma_wait3A_268, %dma_wait3A_269] : memref<4x512xf32, #tpu.memory_space<vmem>> -> memref<1x512xf32, #tpu.memory_space<vmem>>
    %dma_wait3A_271 = tpu.memref_squeeze %dma_wait3A_270 : memref<1x512xf32, #tpu.memory_space<vmem>> -> memref<512xf32, #tpu.memory_space<vmem>>
    %dma_wait3A_272 = arith.constant 0 : i32
    %dma_wait3A_273 = tpu.memref_slice %arg6[%dma_wait3A_272] : memref<1015808xf32, #tpu.memory_space<hbm>> -> memref<512xf32, #tpu.memory_space<hbm>>
    %dma_wait3A_274 = arith.constant 0 : i32
    %dma_wait3A_275 = tpu.memref_slice %arg16[%dma_wait3A_268, %dma_wait3A_274] : memref<4x512xf32, #tpu.memory_space<vmem>> -> memref<1x512xf32, #tpu.memory_space<vmem>>
    %dma_wait3A_276 = tpu.memref_squeeze %dma_wait3A_275 : memref<1x512xf32, #tpu.memory_space<vmem>> -> memref<512xf32, #tpu.memory_space<vmem>>
    %dma_wait3A_277 = arith.constant 0 : i32
    %dma_wait3A_278 = tpu.memref_slice %arg6[%dma_wait3A_277] : memref<1015808xf32, #tpu.memory_space<hbm>> -> memref<512xf32, #tpu.memory_space<hbm>>
    tpu.wait_dma2 semaphore(%arg18 : memref<!tpu.dma_semaphore, #tpu.memory_space<semaphore_mem>>) src(%dma_wait3A_278 : memref<512xf32, #tpu.memory_space<hbm>>) dst(%dma_wait3A_276 : memref<512xf32, #tpu.memory_space<vmem>>)
    %dma_wait3A_279 = arith.constant 1 : i32
    %dma_wait3A_280 = arith.constant 0 : i32
    %dma_wait3A_281 = tpu.memref_slice %arg15[%dma_wait3A_279, %dma_wait3A_280] : memref<4x512xf32, #tpu.memory_space<vmem>> -> memref<1x512xf32, #tpu.memory_space<vmem>>
    %dma_wait3A_282 = tpu.memref_squeeze %dma_wait3A_281 : memref<1x512xf32, #tpu.memory_space<vmem>> -> memref<512xf32, #tpu.memory_space<vmem>>
    %dma_wait3A_283 = arith.constant 0 : i32
    %dma_wait3A_284 = tpu.memref_slice %arg3[%dma_wait3A_283] : memref<1015808xf32, #tpu.memory_space<hbm>> -> memref<512xf32, #tpu.memory_space<hbm>>
    %dma_wait3A_285 = arith.constant 0 : i32
    %dma_wait3A_286 = tpu.memref_slice %arg15[%dma_wait3A_279, %dma_wait3A_285] : memref<4x512xf32, #tpu.memory_space<vmem>> -> memref<1x512xf32, #tpu.memory_space<vmem>>
    %dma_wait3A_287 = tpu.memref_squeeze %dma_wait3A_286 : memref<1x512xf32, #tpu.memory_space<vmem>> -> memref<512xf32, #tpu.memory_space<vmem>>
    %dma_wait3A_288 = arith.constant 0 : i32
    %dma_wait3A_289 = tpu.memref_slice %arg3[%dma_wait3A_288] : memref<1015808xf32, #tpu.memory_space<hbm>> -> memref<512xf32, #tpu.memory_space<hbm>>
    tpu.wait_dma2 semaphore(%arg18 : memref<!tpu.dma_semaphore, #tpu.memory_space<semaphore_mem>>) src(%dma_wait3A_289 : memref<512xf32, #tpu.memory_space<hbm>>) dst(%dma_wait3A_287 : memref<512xf32, #tpu.memory_space<vmem>>)
    %dma_wait3A_290 = arith.constant 1 : i32
    %dma_wait3A_291 = arith.constant 0 : i32
    %dma_wait3A_292 = tpu.memref_slice %arg16[%dma_wait3A_290, %dma_wait3A_291] : memref<4x512xf32, #tpu.memory_space<vmem>> -> memref<1x512xf32, #tpu.memory_space<vmem>>
    %dma_wait3A_293 = tpu.memref_squeeze %dma_wait3A_292 : memref<1x512xf32, #tpu.memory_space<vmem>> -> memref<512xf32, #tpu.memory_space<vmem>>
    %dma_wait3A_294 = arith.constant 0 : i32
    %dma_wait3A_295 = tpu.memref_slice %arg7[%dma_wait3A_294] : memref<1015808xf32, #tpu.memory_space<hbm>> -> memref<512xf32, #tpu.memory_space<hbm>>
    %dma_wait3A_296 = arith.constant 0 : i32
    %dma_wait3A_297 = tpu.memref_slice %arg16[%dma_wait3A_290, %dma_wait3A_296] : memref<4x512xf32, #tpu.memory_space<vmem>> -> memref<1x512xf32, #tpu.memory_space<vmem>>
    %dma_wait3A_298 = tpu.memref_squeeze %dma_wait3A_297 : memref<1x512xf32, #tpu.memory_space<vmem>> -> memref<512xf32, #tpu.memory_space<vmem>>
    %dma_wait3A_299 = arith.constant 0 : i32
    %dma_wait3A_300 = tpu.memref_slice %arg7[%dma_wait3A_299] : memref<1015808xf32, #tpu.memory_space<hbm>> -> memref<512xf32, #tpu.memory_space<hbm>>
    tpu.wait_dma2 semaphore(%arg18 : memref<!tpu.dma_semaphore, #tpu.memory_space<semaphore_mem>>) src(%dma_wait3A_300 : memref<512xf32, #tpu.memory_space<hbm>>) dst(%dma_wait3A_298 : memref<512xf32, #tpu.memory_space<vmem>>)
    %dma_wait3A_301 = arith.constant 2 : i32
    %dma_wait3A_302 = arith.constant 0 : i32
    %dma_wait3A_303 = tpu.memref_slice %arg15[%dma_wait3A_301, %dma_wait3A_302] : memref<4x512xf32, #tpu.memory_space<vmem>> -> memref<1x512xf32, #tpu.memory_space<vmem>>
    %dma_wait3A_304 = tpu.memref_squeeze %dma_wait3A_303 : memref<1x512xf32, #tpu.memory_space<vmem>> -> memref<512xf32, #tpu.memory_space<vmem>>
    %dma_wait3A_305 = arith.constant 0 : i32
    %dma_wait3A_306 = tpu.memref_slice %arg4[%dma_wait3A_305] : memref<1015808xf32, #tpu.memory_space<hbm>> -> memref<512xf32, #tpu.memory_space<hbm>>
    %dma_wait3A_307 = arith.constant 0 : i32
    %dma_wait3A_308 = tpu.memref_slice %arg15[%dma_wait3A_301, %dma_wait3A_307] : memref<4x512xf32, #tpu.memory_space<vmem>> -> memref<1x512xf32, #tpu.memory_space<vmem>>
    %dma_wait3A_309 = tpu.memref_squeeze %dma_wait3A_308 : memref<1x512xf32, #tpu.memory_space<vmem>> -> memref<512xf32, #tpu.memory_space<vmem>>
    %dma_wait3A_310 = arith.constant 0 : i32
    %dma_wait3A_311 = tpu.memref_slice %arg4[%dma_wait3A_310] : memref<1015808xf32, #tpu.memory_space<hbm>> -> memref<512xf32, #tpu.memory_space<hbm>>
    tpu.wait_dma2 semaphore(%arg18 : memref<!tpu.dma_semaphore, #tpu.memory_space<semaphore_mem>>) src(%dma_wait3A_311 : memref<512xf32, #tpu.memory_space<hbm>>) dst(%dma_wait3A_309 : memref<512xf32, #tpu.memory_space<vmem>>)
    %dma_wait3A_312 = arith.constant 2 : i32
    %dma_wait3A_313 = arith.constant 0 : i32
    %dma_wait3A_314 = tpu.memref_slice %arg16[%dma_wait3A_312, %dma_wait3A_313] : memref<4x512xf32, #tpu.memory_space<vmem>> -> memref<1x512xf32, #tpu.memory_space<vmem>>
    %dma_wait3A_315 = tpu.memref_squeeze %dma_wait3A_314 : memref<1x512xf32, #tpu.memory_space<vmem>> -> memref<512xf32, #tpu.memory_space<vmem>>
    %dma_wait3A_316 = arith.constant 0 : i32
    %dma_wait3A_317 = tpu.memref_slice %arg8[%dma_wait3A_316] : memref<1015808xf32, #tpu.memory_space<hbm>> -> memref<512xf32, #tpu.memory_space<hbm>>
    %dma_wait3A_318 = arith.constant 0 : i32
    %dma_wait3A_319 = tpu.memref_slice %arg16[%dma_wait3A_312, %dma_wait3A_318] : memref<4x512xf32, #tpu.memory_space<vmem>> -> memref<1x512xf32, #tpu.memory_space<vmem>>
    %dma_wait3A_320 = tpu.memref_squeeze %dma_wait3A_319 : memref<1x512xf32, #tpu.memory_space<vmem>> -> memref<512xf32, #tpu.memory_space<vmem>>
    %dma_wait3A_321 = arith.constant 0 : i32
    %dma_wait3A_322 = tpu.memref_slice %arg8[%dma_wait3A_321] : memref<1015808xf32, #tpu.memory_space<hbm>> -> memref<512xf32, #tpu.memory_space<hbm>>
    tpu.wait_dma2 semaphore(%arg18 : memref<!tpu.dma_semaphore, #tpu.memory_space<semaphore_mem>>) src(%dma_wait3A_322 : memref<512xf32, #tpu.memory_space<hbm>>) dst(%dma_wait3A_320 : memref<512xf32, #tpu.memory_space<vmem>>)
    %dma_wait3A_323 = arith.constant 3 : i32
    %dma_wait3A_324 = arith.constant 0 : i32
    %dma_wait3A_325 = tpu.memref_slice %arg15[%dma_wait3A_323, %dma_wait3A_324] : memref<4x512xf32, #tpu.memory_space<vmem>> -> memref<1x512xf32, #tpu.memory_space<vmem>>
    %dma_wait3A_326 = tpu.memref_squeeze %dma_wait3A_325 : memref<1x512xf32, #tpu.memory_space<vmem>> -> memref<512xf32, #tpu.memory_space<vmem>>
    %dma_wait3A_327 = arith.constant 0 : i32
    %dma_wait3A_328 = tpu.memref_slice %arg5[%dma_wait3A_327] : memref<1015808xf32, #tpu.memory_space<hbm>> -> memref<512xf32, #tpu.memory_space<hbm>>
    %dma_wait3A_329 = arith.constant 0 : i32
    %dma_wait3A_330 = tpu.memref_slice %arg15[%dma_wait3A_323, %dma_wait3A_329] : memref<4x512xf32, #tpu.memory_space<vmem>> -> memref<1x512xf32, #tpu.memory_space<vmem>>
    %dma_wait3A_331 = tpu.memref_squeeze %dma_wait3A_330 : memref<1x512xf32, #tpu.memory_space<vmem>> -> memref<512xf32, #tpu.memory_space<vmem>>
    %dma_wait3A_332 = arith.constant 0 : i32
    %dma_wait3A_333 = tpu.memref_slice %arg5[%dma_wait3A_332] : memref<1015808xf32, #tpu.memory_space<hbm>> -> memref<512xf32, #tpu.memory_space<hbm>>
    tpu.wait_dma2 semaphore(%arg18 : memref<!tpu.dma_semaphore, #tpu.memory_space<semaphore_mem>>) src(%dma_wait3A_333 : memref<512xf32, #tpu.memory_space<hbm>>) dst(%dma_wait3A_331 : memref<512xf32, #tpu.memory_space<vmem>>)
    %dma_wait3A_334 = arith.constant 3 : i32
    %dma_wait3A_335 = arith.constant 0 : i32
    %dma_wait3A_336 = tpu.memref_slice %arg16[%dma_wait3A_334, %dma_wait3A_335] : memref<4x512xf32, #tpu.memory_space<vmem>> -> memref<1x512xf32, #tpu.memory_space<vmem>>
    %dma_wait3A_337 = tpu.memref_squeeze %dma_wait3A_336 : memref<1x512xf32, #tpu.memory_space<vmem>> -> memref<512xf32, #tpu.memory_space<vmem>>
    %dma_wait3A_338 = arith.constant 0 : i32
    %dma_wait3A_339 = tpu.memref_slice %arg9[%dma_wait3A_338] : memref<1015808xf32, #tpu.memory_space<hbm>> -> memref<512xf32, #tpu.memory_space<hbm>>
    %dma_wait3A_340 = arith.constant 0 : i32
    %dma_wait3A_341 = tpu.memref_slice %arg16[%dma_wait3A_334, %dma_wait3A_340] : memref<4x512xf32, #tpu.memory_space<vmem>> -> memref<1x512xf32, #tpu.memory_space<vmem>>
    %dma_wait3A_342 = tpu.memref_squeeze %dma_wait3A_341 : memref<1x512xf32, #tpu.memory_space<vmem>> -> memref<512xf32, #tpu.memory_space<vmem>>
    %dma_wait3A_343 = arith.constant 0 : i32
    %dma_wait3A_344 = tpu.memref_slice %arg9[%dma_wait3A_343] : memref<1015808xf32, #tpu.memory_space<hbm>> -> memref<512xf32, #tpu.memory_space<hbm>>
    tpu.wait_dma2 semaphore(%arg18 : memref<!tpu.dma_semaphore, #tpu.memory_space<semaphore_mem>>) src(%dma_wait3A_344 : memref<512xf32, #tpu.memory_space<hbm>>) dst(%dma_wait3A_342 : memref<512xf32, #tpu.memory_space<vmem>>)
    %scan3A = arith.constant 0 : i32
    %scan3A_345 = arith.constant 0 : i32
    %scan3A_346 = arith.constant 32 : i32
    %scan3A_347 = arith.addi %scan3A_345, %scan3A_346 : i32
    %scan3A_348 = arith.constant 1 : i32
    scf.for %scan3A_350 = %scan3A_345 to %scan3A_347 step %scan3A_348  : i32 {
      %mul3A_351 = arith.constant 16 : i32
      %mul3A_352 = arith.muli %scan3A_350, %mul3A_351 : i32
      %get3A = arith.constant 0 : i32
      %get3A_353 = arith.index_cast %get3A : i32 to index
      %get3A_354 = arith.index_cast %mul3A_352 : i32 to index
      %get3A_355 = tpu.vector_load %arg15[%get3A_353, %get3A_354] {strides = array<i32>} : memref<4x512xf32, #tpu.memory_space<vmem>>, vector<16xf32>,
      %get3A_356 = arith.constant 0 : i32
      %get3A_357 = arith.index_cast %get3A_356 : i32 to index
      %get3A_358 = arith.index_cast %mul3A_352 : i32 to index
      %get3A_359 = tpu.vector_load %arg16[%get3A_357, %get3A_358] {strides = array<i32>} : memref<4x512xf32, #tpu.memory_space<vmem>>, vector<16xf32>,
      %add3A_360 = arith.addf %get3A_355, %get3A_359 : vector<16xf32>
      %swap3A = arith.constant 0 : i32
      %swap3A_361 = arith.index_cast %swap3A : i32 to index
      %swap3A_362 = arith.index_cast %mul3A_352 : i32 to index
      %swap3A_363 = tpu.vector_load %arg17[%swap3A_361, %swap3A_362] {strides = array<i32>} : memref<4x512xf32, #tpu.memory_space<vmem>>, vector<16xf32>,
      tpu.vector_store %arg17[%swap3A_361, %swap3A_362], %add3A_360 {strides = array<i32>} : memref<4x512xf32, #tpu.memory_space<vmem>>, vector<16xf32>,
      %get3A_364 = arith.constant 1 : i32
      %get3A_365 = arith.index_cast %get3A_364 : i32 to index
      %get3A_366 = arith.index_cast %mul3A_352 : i32 to index
      %get3A_367 = tpu.vector_load %arg15[%get3A_365, %get3A_366] {strides = array<i32>} : memref<4x512xf32, #tpu.memory_space<vmem>>, vector<16xf32>,
      %get3A_368 = arith.constant 1 : i32
      %get3A_369 = arith.index_cast %get3A_368 : i32 to index
      %get3A_370 = arith.index_cast %mul3A_352 : i32 to index
      %get3A_371 = tpu.vector_load %arg16[%get3A_369, %get3A_370] {strides = array<i32>} : memref<4x512xf32, #tpu.memory_space<vmem>>, vector<16xf32>,
      %add3A_372 = arith.addf %get3A_367, %get3A_371 : vector<16xf32>
      %swap3A_373 = arith.constant 1 : i32
      %swap3A_374 = arith.index_cast %swap3A_373 : i32 to index
      %swap3A_375 = arith.index_cast %mul3A_352 : i32 to index
      %swap3A_376 = tpu.vector_load %arg17[%swap3A_374, %swap3A_375] {strides = array<i32>} : memref<4x512xf32, #tpu.memory_space<vmem>>, vector<16xf32>,
      tpu.vector_store %arg17[%swap3A_374, %swap3A_375], %add3A_372 {strides = array<i32>} : memref<4x512xf32, #tpu.memory_space<vmem>>, vector<16xf32>,
      %get3A_377 = arith.constant 2 : i32
      %get3A_378 = arith.index_cast %get3A_377 : i32 to index
      %get3A_379 = arith.index_cast %mul3A_352 : i32 to index
      %get3A_380 = tpu.vector_load %arg15[%get3A_378, %get3A_379] {strides = array<i32>} : memref<4x512xf32, #tpu.memory_space<vmem>>, vector<16xf32>,
      %get3A_381 = arith.constant 2 : i32
      %get3A_382 = arith.index_cast %get3A_381 : i32 to index
      %get3A_383 = arith.index_cast %mul3A_352 : i32 to index
      %get3A_384 = tpu.vector_load %arg16[%get3A_382, %get3A_383] {strides = array<i32>} : memref<4x512xf32, #tpu.memory_space<vmem>>, vector<16xf32>,
      %add3A_385 = arith.addf %get3A_380, %get3A_384 : vector<16xf32>
      %swap3A_386 = arith.constant 2 : i32
      %swap3A_387 = arith.index_cast %swap3A_386 : i32 to index
      %swap3A_388 = arith.index_cast %mul3A_352 : i32 to index
      %swap3A_389 = tpu.vector_load %arg17[%swap3A_387, %swap3A_388] {strides = array<i32>} : memref<4x512xf32, #tpu.memory_space<vmem>>, vector<16xf32>,
      tpu.vector_store %arg17[%swap3A_387, %swap3A_388], %add3A_385 {strides = array<i32>} : memref<4x512xf32, #tpu.memory_space<vmem>>, vector<16xf32>,
      %get3A_390 = arith.constant 3 : i32
      %get3A_391 = arith.index_cast %get3A_390 : i32 to index
      %get3A_392 = arith.index_cast %mul3A_352 : i32 to index
      %get3A_393 = tpu.vector_load %arg15[%get3A_391, %get3A_392] {strides = array<i32>} : memref<4x512xf32, #tpu.memory_space<vmem>>, vector<16xf32>,
      %get3A_394 = arith.constant 3 : i32
      %get3A_395 = arith.index_cast %get3A_394 : i32 to index
      %get3A_396 = arith.index_cast %mul3A_352 : i32 to index
      %get3A_397 = tpu.vector_load %arg16[%get3A_395, %get3A_396] {strides = array<i32>} : memref<4x512xf32, #tpu.memory_space<vmem>>, vector<16xf32>,
      %add3A_398 = arith.addf %get3A_393, %get3A_397 : vector<16xf32>
      %swap3A_399 = arith.constant 3 : i32
      %swap3A_400 = arith.index_cast %swap3A_399 : i32 to index
      %swap3A_401 = arith.index_cast %mul3A_352 : i32 to index
      %swap3A_402 = tpu.vector_load %arg17[%swap3A_400, %swap3A_401] {strides = array<i32>} : memref<4x512xf32, #tpu.memory_space<vmem>>, vector<16xf32>,
      tpu.vector_store %arg17[%swap3A_400, %swap3A_401], %add3A_398 {strides = array<i32>} : memref<4x512xf32, #tpu.memory_space<vmem>>, vector<16xf32>,
    }
    %scan3A_349 = arith.constant 32 : i32
    "tpu.region"() ({
      %run_scoped3A = tpu.sem_alloc : memref<!tpu.dma_semaphore, #tpu.memory_space<semaphore_mem>>
      %dma_start3A_350 = arith.constant 0 : i32
      %dma_start3A_351 = tpu.memref_slice %arg12[%dma_start3A_350, %mul3A_2] : memref<4x16384xf32, #tpu.memory_space<hbm>> -> memref<4x512xf32, #tpu.memory_space<hbm>>
      %dma_start3A_352 = arith.constant 0 : i32
      %dma_start3A_353 = tpu.memref_slice %arg12[%dma_start3A_352, %mul3A_2] : memref<4x16384xf32, #tpu.memory_space<hbm>> -> memref<4x512xf32, #tpu.memory_space<hbm>>
      tpu.enqueue_dma source(%arg17 : memref<4x512xf32, #tpu.memory_space<vmem>>) target(%dma_start3A_353 : memref<4x512xf32, #tpu.memory_space<hbm>>) target_semaphore(%run_scoped3A : memref<!tpu.dma_semaphore, #tpu.memory_space<semaphore_mem>>)
      %dma_wait3A_354 = arith.constant 0 : i32
      %dma_wait3A_355 = tpu.memref_slice %arg12[%dma_wait3A_354, %mul3A_2] : memref<4x16384xf32, #tpu.memory_space<hbm>> -> memref<4x512xf32, #tpu.memory_space<hbm>>
      %dma_wait3A_356 = arith.constant 0 : i32
      %dma_wait3A_357 = tpu.memref_slice %arg12[%dma_wait3A_356, %mul3A_2] : memref<4x16384xf32, #tpu.memory_space<hbm>> -> memref<4x512xf32, #tpu.memory_space<hbm>>
      tpu.wait_dma2 semaphore(%run_scoped3A : memref<!tpu.dma_semaphore, #tpu.memory_space<semaphore_mem>>) src(%arg17 : memref<4x512xf32, #tpu.memory_space<vmem>>) dst(%dma_wait3A_357 : memref<4x512xf32, #tpu.memory_space<hbm>>)
      tpu.yield
    }) : () -> ()
    return
  }
}

module attributes {stable_mosaic.version = 14 : i64} {
  func.func @_pack_body(%arg0: i32, %arg1: memref<64x32768xf32, #tpu.memory_space<vmem>>, %arg2: memref<32x32768xf32, #tpu.memory_space<vmem>>, %arg3: memref<320x4xf32, #tpu.memory_space<vmem>>, %arg4: memref<256x128xf32, #tpu.memory_space<vmem>>, %arg5: memref<256x128xf32, #tpu.memory_space<vmem>>, %arg6: memref<256x128xf32, #tpu.memory_space<vmem>>, %arg7: memref<256x128xf32, #tpu.memory_space<vmem>>, %arg8: memref<256x128xf32, #tpu.memory_space<vmem>>, %arg9: memref<256x128xf32, #tpu.memory_space<vmem>>, %arg10: memref<256x128xf32, #tpu.memory_space<vmem>>, %arg11: memref<256x128xf32, #tpu.memory_space<vmem>>) attributes {dimension_semantics = [#tpu.dimension_semantics<arbitrary>], iteration_bounds = array<i64: 31>, scalar_prefetch = 0 : i64, scratch_operands = 0 : i64, tpu.core_type = #tpu.core_type<tc>, window_params = [{transform_indices = @transform_0, window_bounds = array<i64: 64, 32768>}, {transform_indices = @transform_1, window_bounds = array<i64: 32, 32768>}, {pipeline_mode = #tpu.pipeline_mode<synchronous>, transform_indices = @transform_2, window_bounds = array<i64: 320, 4>}, {transform_indices = @transform_3, window_bounds = array<i64: 256, 128>}, {transform_indices = @transform_4, window_bounds = array<i64: 256, 128>}, {transform_indices = @transform_5, window_bounds = array<i64: 256, 128>}, {transform_indices = @transform_6, window_bounds = array<i64: 256, 128>}, {transform_indices = @transform_7, window_bounds = array<i64: 256, 128>}, {transform_indices = @transform_8, window_bounds = array<i64: 256, 128>}, {transform_indices = @transform_9, window_bounds = array<i64: 256, 128>}, {transform_indices = @transform_10, window_bounds = array<i64: 256, 128>}]} {
    %get3A = arith.constant 0 : index
    %get3A_0 = arith.constant 0 : index
    %get3A_1 = vector.load %arg3[%get3A, %get3A_0] : memref<320x4xf32, #tpu.memory_space<vmem>>, vector<64x4xf32>
    %get3A_2 = arith.constant 128 : index
    %get3A_3 = arith.constant 0 : index
    %get3A_4 = vector.load %arg3[%get3A_2, %get3A_3] : memref<320x4xf32, #tpu.memory_space<vmem>>, vector<32x4xf32>
    %get3A_5 = arith.constant 0 : index
    %get3A_6 = arith.constant 0 : index
    %get3A_7 = vector.load %arg1[%get3A_5, %get3A_6] : memref<64x32768xf32, #tpu.memory_space<vmem>>, vector<64x32768xf32>
    %dot_general3A = arith.constant dense<0.000000e+00> : vector<4x32768xf32>
    %dot_general3A_8 = tpu.matmul %get3A_1, %get3A_7, %dot_general3A {dimension_numbers = #tpu.dot_dimension_numbers<[0], [0], [1], [1], [0, 1, 1, 1], [], []>, transpose_lhs_hint = false} : vector<64x4xf32>, vector<64x32768xf32>, vector<4x32768xf32> -> vector<4x32768xf32>
    %get3A_9 = arith.constant 0 : index
    %get3A_10 = arith.constant 0 : index
    %get3A_11 = vector.load %arg2[%get3A_9, %get3A_10] : memref<32x32768xf32, #tpu.memory_space<vmem>>, vector<32x32768xf32>
    %dot_general3A_12 = arith.constant dense<0.000000e+00> : vector<4x32768xf32>
    %dot_general3A_13 = tpu.matmul %get3A_4, %get3A_11, %dot_general3A_12 {dimension_numbers = #tpu.dot_dimension_numbers<[0], [0], [1], [1], [0, 1, 1, 1], [], []>, transpose_lhs_hint = false} : vector<32x4xf32>, vector<32x32768xf32>, vector<4x32768xf32> -> vector<4x32768xf32>
    %slice3A = vector.extract_strided_slice %dot_general3A_8 {offsets = [0, 0], sizes = [1, 32768], strides = [1, 1]} : vector<4x32768xf32> to vector<1x32768xf32>
    %reshape3A = vector.shape_cast %slice3A : vector<1x32768xf32> to vector<256x128xf32>
    %swap3A = arith.constant 0 : index
    %swap3A_14 = arith.constant 0 : index
    %swap3A_15 = vector.load %arg4[%swap3A, %swap3A_14] : memref<256x128xf32, #tpu.memory_space<vmem>>, vector<256x128xf32>
    tpu.vector_store %arg4[%swap3A, %swap3A_14], %reshape3A {strides = array<i32>} : memref<256x128xf32, #tpu.memory_space<vmem>>, vector<256x128xf32>,
    %slice3A_16 = vector.extract_strided_slice %dot_general3A_13 {offsets = [0, 0], sizes = [1, 32768], strides = [1, 1]} : vector<4x32768xf32> to vector<1x32768xf32>
    %reshape3A_17 = vector.shape_cast %slice3A_16 : vector<1x32768xf32> to vector<256x128xf32>
    %swap3A_18 = arith.constant 0 : index
    %swap3A_19 = arith.constant 0 : index
    %swap3A_20 = vector.load %arg8[%swap3A_18, %swap3A_19] : memref<256x128xf32, #tpu.memory_space<vmem>>, vector<256x128xf32>
    tpu.vector_store %arg8[%swap3A_18, %swap3A_19], %reshape3A_17 {strides = array<i32>} : memref<256x128xf32, #tpu.memory_space<vmem>>, vector<256x128xf32>,
    %slice3A_21 = vector.extract_strided_slice %dot_general3A_8 {offsets = [1, 0], sizes = [1, 32768], strides = [1, 1]} : vector<4x32768xf32> to vector<1x32768xf32>
    %reshape3A_22 = vector.shape_cast %slice3A_21 : vector<1x32768xf32> to vector<256x128xf32>
    %swap3A_23 = arith.constant 0 : index
    %swap3A_24 = arith.constant 0 : index
    %swap3A_25 = vector.load %arg5[%swap3A_23, %swap3A_24] : memref<256x128xf32, #tpu.memory_space<vmem>>, vector<256x128xf32>
    tpu.vector_store %arg5[%swap3A_23, %swap3A_24], %reshape3A_22 {strides = array<i32>} : memref<256x128xf32, #tpu.memory_space<vmem>>, vector<256x128xf32>,
    %slice3A_26 = vector.extract_strided_slice %dot_general3A_13 {offsets = [1, 0], sizes = [1, 32768], strides = [1, 1]} : vector<4x32768xf32> to vector<1x32768xf32>
    %reshape3A_27 = vector.shape_cast %slice3A_26 : vector<1x32768xf32> to vector<256x128xf32>
    %swap3A_28 = arith.constant 0 : index
    %swap3A_29 = arith.constant 0 : index
    %swap3A_30 = vector.load %arg9[%swap3A_28, %swap3A_29] : memref<256x128xf32, #tpu.memory_space<vmem>>, vector<256x128xf32>
    tpu.vector_store %arg9[%swap3A_28, %swap3A_29], %reshape3A_27 {strides = array<i32>} : memref<256x128xf32, #tpu.memory_space<vmem>>, vector<256x128xf32>,
    %slice3A_31 = vector.extract_strided_slice %dot_general3A_8 {offsets = [2, 0], sizes = [1, 32768], strides = [1, 1]} : vector<4x32768xf32> to vector<1x32768xf32>
    %reshape3A_32 = vector.shape_cast %slice3A_31 : vector<1x32768xf32> to vector<256x128xf32>
    %swap3A_33 = arith.constant 0 : index
    %swap3A_34 = arith.constant 0 : index
    %swap3A_35 = vector.load %arg6[%swap3A_33, %swap3A_34] : memref<256x128xf32, #tpu.memory_space<vmem>>, vector<256x128xf32>
    tpu.vector_store %arg6[%swap3A_33, %swap3A_34], %reshape3A_32 {strides = array<i32>} : memref<256x128xf32, #tpu.memory_space<vmem>>, vector<256x128xf32>,
    %slice3A_36 = vector.extract_strided_slice %dot_general3A_13 {offsets = [2, 0], sizes = [1, 32768], strides = [1, 1]} : vector<4x32768xf32> to vector<1x32768xf32>
    %reshape3A_37 = vector.shape_cast %slice3A_36 : vector<1x32768xf32> to vector<256x128xf32>
    %swap3A_38 = arith.constant 0 : index
    %swap3A_39 = arith.constant 0 : index
    %swap3A_40 = vector.load %arg10[%swap3A_38, %swap3A_39] : memref<256x128xf32, #tpu.memory_space<vmem>>, vector<256x128xf32>
    tpu.vector_store %arg10[%swap3A_38, %swap3A_39], %reshape3A_37 {strides = array<i32>} : memref<256x128xf32, #tpu.memory_space<vmem>>, vector<256x128xf32>,
    %slice3A_41 = vector.extract_strided_slice %dot_general3A_8 {offsets = [3, 0], sizes = [1, 32768], strides = [1, 1]} : vector<4x32768xf32> to vector<1x32768xf32>
    %reshape3A_42 = vector.shape_cast %slice3A_41 : vector<1x32768xf32> to vector<256x128xf32>
    %swap3A_43 = arith.constant 0 : index
    %swap3A_44 = arith.constant 0 : index
    %swap3A_45 = vector.load %arg7[%swap3A_43, %swap3A_44] : memref<256x128xf32, #tpu.memory_space<vmem>>, vector<256x128xf32>
    tpu.vector_store %arg7[%swap3A_43, %swap3A_44], %reshape3A_42 {strides = array<i32>} : memref<256x128xf32, #tpu.memory_space<vmem>>, vector<256x128xf32>,
    %slice3A_46 = vector.extract_strided_slice %dot_general3A_13 {offsets = [3, 0], sizes = [1, 32768], strides = [1, 1]} : vector<4x32768xf32> to vector<1x32768xf32>
    %reshape3A_47 = vector.shape_cast %slice3A_46 : vector<1x32768xf32> to vector<256x128xf32>
    %swap3A_48 = arith.constant 0 : index
    %swap3A_49 = arith.constant 0 : index
    %swap3A_50 = vector.load %arg11[%swap3A_48, %swap3A_49] : memref<256x128xf32, #tpu.memory_space<vmem>>, vector<256x128xf32>
    tpu.vector_store %arg11[%swap3A_48, %swap3A_49], %reshape3A_47 {strides = array<i32>} : memref<256x128xf32, #tpu.memory_space<vmem>>, vector<256x128xf32>,
    return
  }
  func.func @transform_0(%arg0: i32) -> (i32, i32) {
    %c0_i32 = arith.constant 0 : i32
    %c0_i32_0 = arith.constant 0 : i32
    return %c0_i32, %arg0 : i32, i32
  }
  func.func @transform_1(%arg0: i32) -> (i32, i32) {
    %c0_i32 = arith.constant 0 : i32
    %c0_i32_0 = arith.constant 0 : i32
    return %c0_i32, %arg0 : i32, i32
  }
  func.func @transform_2(%arg0: i32) -> (i32, i32) {
    %c0_i32 = arith.constant 0 : i32
    %c0_i32_0 = arith.constant 0 : i32
    %c0_i32_1 = arith.constant 0 : i32
    return %c0_i32, %c0_i32_0 : i32, i32
  }
  func.func @transform_3(%arg0: i32) -> (i32, i32) {
    %c0_i32 = arith.constant 0 : i32
    %c0_i32_0 = arith.constant 0 : i32
    return %arg0, %c0_i32 : i32, i32
  }
  func.func @transform_4(%arg0: i32) -> (i32, i32) {
    %c0_i32 = arith.constant 0 : i32
    %c0_i32_0 = arith.constant 0 : i32
    return %arg0, %c0_i32 : i32, i32
  }
  func.func @transform_5(%arg0: i32) -> (i32, i32) {
    %c0_i32 = arith.constant 0 : i32
    %c0_i32_0 = arith.constant 0 : i32
    return %arg0, %c0_i32 : i32, i32
  }
  func.func @transform_6(%arg0: i32) -> (i32, i32) {
    %c0_i32 = arith.constant 0 : i32
    %c0_i32_0 = arith.constant 0 : i32
    return %arg0, %c0_i32 : i32, i32
  }
  func.func @transform_7(%arg0: i32) -> (i32, i32) {
    %c0_i32 = arith.constant 0 : i32
    %c0_i32_0 = arith.constant 0 : i32
    return %arg0, %c0_i32 : i32, i32
  }
  func.func @transform_8(%arg0: i32) -> (i32, i32) {
    %c0_i32 = arith.constant 0 : i32
    %c0_i32_0 = arith.constant 0 : i32
    return %arg0, %c0_i32 : i32, i32
  }
  func.func @transform_9(%arg0: i32) -> (i32, i32) {
    %c0_i32 = arith.constant 0 : i32
    %c0_i32_0 = arith.constant 0 : i32
    return %arg0, %c0_i32 : i32, i32
  }
  func.func @transform_10(%arg0: i32) -> (i32, i32) {
    %c0_i32 = arith.constant 0 : i32
    %c0_i32_0 = arith.constant 0 : i32
    return %arg0, %c0_i32 : i32, i32
  }
}

module attributes {stable_mosaic.version = 14 : i64} {
  func.func @_dense_body(%arg0: i32, %arg1: memref<2048x128xf32, #tpu.memory_space<vmem>>, %arg2: memref<2048x128xf32, #tpu.memory_space<vmem>>, %arg3: memref<2048x128xf32, #tpu.memory_space<vmem>>, %arg4: memref<128x64xf32, #tpu.memory_space<vmem>>, %arg5: memref<128x32xf32, #tpu.memory_space<vmem>>, %arg6: memref<128x128xf32, #tpu.memory_space<vmem>>, %arg7: memref<320x4xf32, #tpu.memory_space<vmem>>, %arg8: memref<1x64xf32, #tpu.memory_space<vmem>>, %arg9: memref<1x32xf32, #tpu.memory_space<vmem>>, %arg10: memref<1x128xf32, #tpu.memory_space<vmem>>, %arg11: memref<2048x4xf32, #tpu.memory_space<vmem>>) attributes {dimension_semantics = [#tpu.dimension_semantics<arbitrary>], iteration_bounds = array<i64: 8>, scalar_prefetch = 0 : i64, scratch_operands = 0 : i64, tpu.core_type = #tpu.core_type<tc>, window_params = [{transform_indices = @transform_0, window_bounds = array<i64: 2048, 128>}, {transform_indices = @transform_1, window_bounds = array<i64: 2048, 128>}, {transform_indices = @transform_2, window_bounds = array<i64: 2048, 128>}, {pipeline_mode = #tpu.pipeline_mode<synchronous>, transform_indices = @transform_3, window_bounds = array<i64: 128, 64>}, {pipeline_mode = #tpu.pipeline_mode<synchronous>, transform_indices = @transform_4, window_bounds = array<i64: 128, 32>}, {pipeline_mode = #tpu.pipeline_mode<synchronous>, transform_indices = @transform_5, window_bounds = array<i64: 128, 128>}, {pipeline_mode = #tpu.pipeline_mode<synchronous>, transform_indices = @transform_6, window_bounds = array<i64: 320, 4>}, {pipeline_mode = #tpu.pipeline_mode<synchronous>, transform_indices = @transform_7, window_bounds = array<i64: 1, 64>}, {pipeline_mode = #tpu.pipeline_mode<synchronous>, transform_indices = @transform_8, window_bounds = array<i64: 1, 32>}, {pipeline_mode = #tpu.pipeline_mode<synchronous>, transform_indices = @transform_9, window_bounds = array<i64: 1, 128>}, {transform_indices = @transform_10, window_bounds = array<i64: 2048, 4>}]} {
    %get3A = arith.constant 0 : index
    %get3A_0 = arith.constant 0 : index
    %get3A_1 = vector.load %arg1[%get3A, %get3A_0] : memref<2048x128xf32, #tpu.memory_space<vmem>>, vector<2048x128xf32>
    %get3A_2 = arith.constant 0 : index
    %get3A_3 = arith.constant 0 : index
    %get3A_4 = vector.load %arg4[%get3A_2, %get3A_3] : memref<128x64xf32, #tpu.memory_space<vmem>>, vector<128x64xf32>
    %dot_general3A = arith.constant dense<0.000000e+00> : vector<2048x64xf32>
    %dot_general3A_5 = tpu.matmul %get3A_1, %get3A_4, %dot_general3A {dimension_numbers = #tpu.dot_dimension_numbers<[1], [0], [0], [1], [0, 0, 1, 1], [], []>, transpose_lhs_hint = false} : vector<2048x128xf32>, vector<128x64xf32>, vector<2048x64xf32> -> vector<2048x64xf32>
    %get3A_6 = arith.constant 0 : index
    %get3A_7 = arith.constant 0 : index
    %get3A_8 = vector.load %arg8[%get3A_6, %get3A_7] : memref<1x64xf32, #tpu.memory_space<vmem>>, vector<1x64xf32>
    %add3A = vector.broadcast %get3A_8 : vector<1x64xf32> to vector<2048x64xf32>
    %add3A_9 = arith.addf %dot_general3A_5, %add3A : vector<2048x64xf32>
    %get3A_10 = arith.constant 0 : index
    %get3A_11 = arith.constant 0 : index
    %get3A_12 = vector.load %arg2[%get3A_10, %get3A_11] : memref<2048x128xf32, #tpu.memory_space<vmem>>, vector<2048x128xf32>
    %get3A_13 = arith.constant 0 : index
    %get3A_14 = arith.constant 0 : index
    %get3A_15 = vector.load %arg5[%get3A_13, %get3A_14] : memref<128x32xf32, #tpu.memory_space<vmem>>, vector<128x32xf32>
    %dot_general3A_16 = arith.constant dense<0.000000e+00> : vector<2048x32xf32>
    %dot_general3A_17 = tpu.matmul %get3A_12, %get3A_15, %dot_general3A_16 {dimension_numbers = #tpu.dot_dimension_numbers<[1], [0], [0], [1], [0, 0, 1, 1], [], []>, transpose_lhs_hint = false} : vector<2048x128xf32>, vector<128x32xf32>, vector<2048x32xf32> -> vector<2048x32xf32>
    %get3A_18 = arith.constant 0 : index
    %get3A_19 = arith.constant 0 : index
    %get3A_20 = vector.load %arg9[%get3A_18, %get3A_19] : memref<1x32xf32, #tpu.memory_space<vmem>>, vector<1x32xf32>
    %add3A_21 = vector.broadcast %get3A_20 : vector<1x32xf32> to vector<2048x32xf32>
    %add3A_22 = arith.addf %dot_general3A_17, %add3A_21 : vector<2048x32xf32>
    %get3A_23 = arith.constant 0 : index
    %get3A_24 = arith.constant 0 : index
    %get3A_25 = vector.load %arg3[%get3A_23, %get3A_24] : memref<2048x128xf32, #tpu.memory_space<vmem>>, vector<2048x128xf32>
    %get3A_26 = arith.constant 0 : index
    %get3A_27 = arith.constant 0 : index
    %get3A_28 = vector.load %arg6[%get3A_26, %get3A_27] : memref<128x128xf32, #tpu.memory_space<vmem>>, vector<128x128xf32>
    %dot_general3A_29 = arith.constant dense<0.000000e+00> : vector<2048x128xf32>
    %dot_general3A_30 = tpu.matmul %get3A_25, %get3A_28, %dot_general3A_29 {dimension_numbers = #tpu.dot_dimension_numbers<[1], [0], [0], [1], [0, 0, 1, 1], [], []>, transpose_lhs_hint = false} : vector<2048x128xf32>, vector<128x128xf32>, vector<2048x128xf32> -> vector<2048x128xf32>
    %get3A_31 = arith.constant 0 : index
    %get3A_32 = arith.constant 0 : index
    %get3A_33 = vector.load %arg10[%get3A_31, %get3A_32] : memref<1x128xf32, #tpu.memory_space<vmem>>, vector<1x128xf32>
    %add3A_34 = vector.broadcast %get3A_33 : vector<1x128xf32> to vector<2048x128xf32>
    %add3A_35 = arith.addf %dot_general3A_30, %add3A_34 : vector<2048x128xf32>
    %get3A_36 = arith.constant 0 : index
    %get3A_37 = arith.constant 0 : index
    %get3A_38 = vector.load %arg7[%get3A_36, %get3A_37] : memref<320x4xf32, #tpu.memory_space<vmem>>, vector<320x4xf32>
    %slice3A = vector.extract_strided_slice %get3A_38 {offsets = [64, 0], sizes = [64, 4], strides = [1, 1]} : vector<320x4xf32> to vector<64x4xf32>
    %dot_general3A_39 = arith.constant dense<0.000000e+00> : vector<2048x4xf32>
    %dot_general3A_40 = tpu.matmul %add3A_9, %slice3A, %dot_general3A_39 {dimension_numbers = #tpu.dot_dimension_numbers<[1], [0], [0], [1], [0, 0, 1, 1], [], []>, transpose_lhs_hint = false} : vector<2048x64xf32>, vector<64x4xf32>, vector<2048x4xf32> -> vector<2048x4xf32>
    %slice3A_41 = vector.extract_strided_slice %get3A_38 {offsets = [160, 0], sizes = [32, 4], strides = [1, 1]} : vector<320x4xf32> to vector<32x4xf32>
    %dot_general3A_42 = arith.constant dense<0.000000e+00> : vector<2048x4xf32>
    %dot_general3A_43 = tpu.matmul %add3A_22, %slice3A_41, %dot_general3A_42 {dimension_numbers = #tpu.dot_dimension_numbers<[1], [0], [0], [1], [0, 0, 1, 1], [], []>, transpose_lhs_hint = false} : vector<2048x32xf32>, vector<32x4xf32>, vector<2048x4xf32> -> vector<2048x4xf32>
    %add3A_44 = arith.addf %dot_general3A_40, %dot_general3A_43 : vector<2048x4xf32>
    %slice3A_45 = vector.extract_strided_slice %get3A_38 {offsets = [192, 0], sizes = [128, 4], strides = [1, 1]} : vector<320x4xf32> to vector<128x4xf32>
    %dot_general3A_46 = arith.constant dense<0.000000e+00> : vector<2048x4xf32>
    %dot_general3A_47 = tpu.matmul %add3A_35, %slice3A_45, %dot_general3A_46 {dimension_numbers = #tpu.dot_dimension_numbers<[1], [0], [0], [1], [0, 0, 1, 1], [], []>, transpose_lhs_hint = false} : vector<2048x128xf32>, vector<128x4xf32>, vector<2048x4xf32> -> vector<2048x4xf32>
    %add3A_48 = arith.addf %add3A_44, %dot_general3A_47 : vector<2048x4xf32>
    %swap3A = arith.constant 0 : index
    %swap3A_49 = arith.constant 0 : index
    %swap3A_50 = vector.load %arg11[%swap3A, %swap3A_49] : memref<2048x4xf32, #tpu.memory_space<vmem>>, vector<2048x4xf32>
    tpu.vector_store %arg11[%swap3A, %swap3A_49], %add3A_48 {strides = array<i32>} : memref<2048x4xf32, #tpu.memory_space<vmem>>, vector<2048x4xf32>,
    return
  }
  func.func @transform_0(%arg0: i32) -> (i32, i32) {
    %c0_i32 = arith.constant 0 : i32
    %c0_i32_0 = arith.constant 0 : i32
    return %arg0, %c0_i32 : i32, i32
  }
  func.func @transform_1(%arg0: i32) -> (i32, i32) {
    %c0_i32 = arith.constant 0 : i32
    %c0_i32_0 = arith.constant 0 : i32
    return %arg0, %c0_i32 : i32, i32
  }
  func.func @transform_2(%arg0: i32) -> (i32, i32) {
    %c0_i32 = arith.constant 0 : i32
    %c0_i32_0 = arith.constant 0 : i32
    return %arg0, %c0_i32 : i32, i32
  }
  func.func @transform_3(%arg0: i32) -> (i32, i32) {
    %c0_i32 = arith.constant 0 : i32
    %c0_i32_0 = arith.constant 0 : i32
    %c0_i32_1 = arith.constant 0 : i32
    return %c0_i32, %c0_i32_0 : i32, i32
  }
  func.func @transform_4(%arg0: i32) -> (i32, i32) {
    %c0_i32 = arith.constant 0 : i32
    %c0_i32_0 = arith.constant 0 : i32
    %c0_i32_1 = arith.constant 0 : i32
    return %c0_i32, %c0_i32_0 : i32, i32
  }
  func.func @transform_5(%arg0: i32) -> (i32, i32) {
    %c0_i32 = arith.constant 0 : i32
    %c0_i32_0 = arith.constant 0 : i32
    %c0_i32_1 = arith.constant 0 : i32
    return %c0_i32, %c0_i32_0 : i32, i32
  }
  func.func @transform_6(%arg0: i32) -> (i32, i32) {
    %c0_i32 = arith.constant 0 : i32
    %c0_i32_0 = arith.constant 0 : i32
    %c0_i32_1 = arith.constant 0 : i32
    return %c0_i32, %c0_i32_0 : i32, i32
  }
  func.func @transform_7(%arg0: i32) -> (i32, i32) {
    %c0_i32 = arith.constant 0 : i32
    %c0_i32_0 = arith.constant 0 : i32
    %c0_i32_1 = arith.constant 0 : i32
    return %c0_i32, %c0_i32_0 : i32, i32
  }
  func.func @transform_8(%arg0: i32) -> (i32, i32) {
    %c0_i32 = arith.constant 0 : i32
    %c0_i32_0 = arith.constant 0 : i32
    %c0_i32_1 = arith.constant 0 : i32
    return %c0_i32, %c0_i32_0 : i32, i32
  }
  func.func @transform_9(%arg0: i32) -> (i32, i32) {
    %c0_i32 = arith.constant 0 : i32
    %c0_i32_0 = arith.constant 0 : i32
    %c0_i32_1 = arith.constant 0 : i32
    return %c0_i32, %c0_i32_0 : i32, i32
  }
  func.func @transform_10(%arg0: i32) -> (i32, i32) {
    %c0_i32 = arith.constant 0 : i32
    %c0_i32_0 = arith.constant 0 : i32
    return %arg0, %c0_i32 : i32, i32
  }
}

module attributes {stable_mosaic.version = 14 : i64} {
  func.func @_final_body(%arg0: i32, %arg1: memref<16384x4xf32, #tpu.memory_space<vmem>>, %arg2: memref<4x16384xf32, #tpu.memory_space<vmem>>, %arg3: memref<1x4xf32, #tpu.memory_space<vmem>>, %arg4: memref<16384x4xf32, #tpu.memory_space<vmem>>) attributes {dimension_semantics = [#tpu.dimension_semantics<arbitrary>], iteration_bounds = array<i64: 1>, scalar_prefetch = 0 : i64, scratch_operands = 0 : i64, tpu.core_type = #tpu.core_type<tc>, window_params = [{pipeline_mode = #tpu.pipeline_mode<synchronous>, transform_indices = @transform_0, window_bounds = array<i64: 16384, 4>}, {pipeline_mode = #tpu.pipeline_mode<synchronous>, transform_indices = @transform_1, window_bounds = array<i64: 4, 16384>}, {pipeline_mode = #tpu.pipeline_mode<synchronous>, transform_indices = @transform_2, window_bounds = array<i64: 1, 4>}, {pipeline_mode = #tpu.pipeline_mode<synchronous>, transform_indices = @transform_3, window_bounds = array<i64: 16384, 4>}]} {
    %iota3A = tpu.iota {dimensions = array<i32: 0>} : vector<4x4xi32>
    %iota3A_0 = tpu.iota {dimensions = array<i32: 1>} : vector<4x4xi32>
    %add3A = arith.constant 0 : i32
    %add3A_1 = vector.broadcast %add3A : i32 to vector<4x4xi32>
    %add3A_2 = arith.addi %iota3A, %add3A_1 : vector<4x4xi32>
    %eq3A = arith.cmpi eq, %add3A_2, %iota3A_0 : vector<4x4xi32>
    %convert_element_type3A = arith.extui %eq3A : vector<4x4xi1> to vector<4x4xi32>
    %convert_element_type3A_3 = arith.sitofp %convert_element_type3A : vector<4x4xi32> to vector<4x4xf32>
    %get3A = arith.constant 0 : index
    %get3A_4 = arith.constant 0 : index
    %get3A_5 = vector.load %arg1[%get3A, %get3A_4] : memref<16384x4xf32, #tpu.memory_space<vmem>>, vector<16384x4xf32>
    %get3A_6 = arith.constant 0 : index
    %get3A_7 = arith.constant 0 : index
    %get3A_8 = vector.load %arg2[%get3A_6, %get3A_7] : memref<4x16384xf32, #tpu.memory_space<vmem>>, vector<4x16384xf32>
    %dot_general3A = arith.constant dense<0.000000e+00> : vector<16384x4xf32>
    %dot_general3A_9 = tpu.matmul %get3A_8, %convert_element_type3A_3, %dot_general3A {dimension_numbers = #tpu.dot_dimension_numbers<[0], [0], [1], [1], [0, 1, 1, 1], [], []>, transpose_lhs_hint = false} : vector<4x16384xf32>, vector<4x4xf32>, vector<16384x4xf32> -> vector<16384x4xf32>
    %add3A_10 = arith.addf %get3A_5, %dot_general3A_9 : vector<16384x4xf32>
    %get3A_11 = arith.constant 0 : index
    %get3A_12 = arith.constant 0 : index
    %get3A_13 = vector.load %arg3[%get3A_11, %get3A_12] : memref<1x4xf32, #tpu.memory_space<vmem>>, vector<1x4xf32>
    %add3A_14 = vector.broadcast %get3A_13 : vector<1x4xf32> to vector<16384x4xf32>
    %add3A_15 = arith.addf %add3A_10, %add3A_14 : vector<16384x4xf32>
    %swap3A = arith.constant 0 : index
    %swap3A_16 = arith.constant 0 : index
    %swap3A_17 = vector.load %arg4[%swap3A, %swap3A_16] : memref<16384x4xf32, #tpu.memory_space<vmem>>, vector<16384x4xf32>
    tpu.vector_store %arg4[%swap3A, %swap3A_16], %add3A_15 {strides = array<i32>} : memref<16384x4xf32, #tpu.memory_space<vmem>>, vector<16384x4xf32>,
    return
  }
  func.func @transform_0(%arg0: i32) -> (i32, i32) {
    %c0_i32 = arith.constant 0 : i32
    %c0_i32_0 = arith.constant 0 : i32
    %c0_i32_1 = arith.constant 0 : i32
    return %c0_i32, %c0_i32_0 : i32, i32
  }
  func.func @transform_1(%arg0: i32) -> (i32, i32) {
    %c0_i32 = arith.constant 0 : i32
    %c0_i32_0 = arith.constant 0 : i32
    %c0_i32_1 = arith.constant 0 : i32
    return %c0_i32, %c0_i32_0 : i32, i32
  }
  func.func @transform_2(%arg0: i32) -> (i32, i32) {
    %c0_i32 = arith.constant 0 : i32
    %c0_i32_0 = arith.constant 0 : i32
    %c0_i32_1 = arith.constant 0 : i32
    return %c0_i32, %c0_i32_0 : i32, i32
  }
  func.func @transform_3(%arg0: i32) -> (i32, i32) {
    %c0_i32 = arith.constant 0 : i32
    %c0_i32_0 = arith.constant 0 : i32
    %c0_i32_1 = arith.constant 0 : i32
    return %c0_i32, %c0_i32_0 : i32, i32
  }
}

</mosaic_0001>

<sc_bundles>
// kernel: kernel.6.cloned.1.call-start
scs
__scs_entry_jumppad:
0x0: {  	(pc) =	sbr.rel $0x88, $3  }
0x1: {  	(tag) =	ssettag $0x0;
	lr =	simm.s32 $0x1  }
0x2: {  	[smem:$0x3F92] =	sst lr;
	_ =	strace $0xD0000000  }
0x3: {  	_ = 	snop  }
0x4: {  	_ = 	snop  }
0x5: {  	_ = 	snop  }
0x6: {  	_ = 	snop  }
0x7: {  	_ = 	snop  }
__scs_overlays_trampoline_lowered:
0x8: {  	[smem:$0x3FA1] =	sst s0  }
0x9: {  	[smem:$0x3FA2] =	sst s1  }
0xa: {  	[smem:$0x3FA3] =	sst s2  }
0xb: {  	[smem:$0x3FA4] =	sst s3  }
0xc: {  	[smem:$0x3FA5] =	sst s4  }
0xd: {  	[smem:$0x3FA6] =	sst s5  }
0xe: {  	[smem:$0x3FA7] =	sst s6  }
0xf: {  	[smem:$0x3FA8] =	sst s7  }
0x10: {  	[smem:$0x3FA9] =	sst s8  }
0x11: {  	[smem:$0x3FAA] =	sst s9;
	s0 =	simm.s32 @!p0 $0x0  }
0x12: {  	s1 =	sld [smem:$0x3F90];
	s0 =	simm.s32 @p0 $0x1  }
0x13: {  	[smem:$0x3FAB] =	sst s0;
	s0 =	simm.s32 @!p1 $0x0  }
0x14: {  	s2 =	sld [smem:$0x3F8F];
	s0 =	simm.s32 @p1 $0x1  }
0x15: {  	[smem:$0x3FAC] =	sst s0;
	s0 =	simm.s32 @!p2 $0x0  }
0x16: {  	s3 =	sld [smem:$0x3FDB];
	s0 =	simm.s32 @p2 $0x1  }
0x17: {  	s4 =	simm.s32 $0x1BF5;
	[smem:$0x3FAE] =	sst s0  }
0x18: {  	s0 =	sld [smem:$0x3F91];
	_ =	swait.ge [sflag:s4], $0x0  }
0x19: {  	s7 =	sld [smem:$0x3F92]  }
0x1a: {  	s8 =	sadd.s32 $0xFFFFE003, lr  }
0x1b: {  	s9 =	sadd.s32 $0xFFFFFEF7, lr;
	s5 =	simm.s32 $0xFFFFFFFF;
	p2 =	slt.u32 s8, $0xFFFFF086  }
0x1c: {  	p1 =	slt.u32 s9, $0xF7A;
	s5 =	simm.s32 @!p2 $0x0  }
0x1d: {  	s5 =	simm.s32 @p1 $0x1;
	p0 =	seq.s32 s7, s2  }
0x1e: {  	s7 =	smul.u32 @!p0 $0xF7A, s2;
	p2 =	seq.s32 @!p0 s5, $0x0  }
0x1f: {  	s9 =	smul.u32 $0xF7A, s1;
	s8 =	simm.s32 @!p0 $0x1BF5;
	p2 =	por !p2, p0  }
0x20: {  	[sflag:s8] =	ssyncset.s32 @!p0 $0xFFFFF086;
	s6 =	sadd.s32 @!p0 s3, s7;
	s7 =	simm.s32 @!p0 $0x108  }
0x21: {  	s3 =	sadd.s32 s3, s9;
	s6 =	sadd.s32 @!p0 $0x88, s6;
	s7 =	simm.s32 @p2 $0x1082  }
0x22: {  	[simem:s7], [sflag:s8] =	dma.local @!p0 [hbm:s6], $0xF7A  }
0x23: {  	s9 =	sor.u32 $0xD0000000, s2;
	s6 =	simm.s32 $0x108;
	_ =	swait.ge @!p0 [sflag:s8], $0x0  }
0x24: {  	s3 =	sadd.s32 $0x88, s3;
	s6 =	simm.s32 @!p1 $0x1082;
	[sflag:s4] =	ssyncset.s32 $0xFFFFF086  }
0x25: {  	[simem:s6], [sflag:s4] =	dma.local [hbm:s3], $0xF7A  }
0x26: {  	[smem:$0x3F92] =	sst s1;
	(tag) =	ssettag s2;
	_ =	strace s9  }
0x27: {  	s1 =	sld [smem:$0x3FA2]  }
0x28: {  	s2 =	sld [smem:$0x3FA3]  }
0x29: {  	s4 =	sld [smem:$0x3FA5]  }
0x2a: {  	p0 =	seq.s32 s5, $0x0;
	s5 =	sld [smem:$0x3FA6]  }
0x2b: {  	s6 =	sld [smem:$0x3FA7]  }
0x2c: {  	s7 =	sld [smem:$0x3FA8]  }
0x2d: {  	s3 =	simm.s32 $0x108;
	s8 =	sld [smem:$0x3FA9]  }
0x2e: {  	s3 =	simm.s32 @!p0 $0x1082;
	s9 =	sld [smem:$0x3FAA]  }
0x2f: {  	lr =	sadd.s32 s0, s3;
	s0 =	sld [smem:$0x3FA1]  }
0x30: {  	s3 =	sld [smem:$0x3FA4]  }
0x31: {  	[smem:$0x3FAD] =	sst s10  }
0x32: {  	s10 =	sld [smem:$0x3FAB];
	_ =	sdelay $0x3  }
0x33: {  	p0 =	seq.s32 s10, $0x1;
	s10 =	sld [smem:$0x3FAD];
	_ =	sdelay $0x3  }
0x34: {  	[smem:$0x3FAD] =	sst s10  }
0x35: {  	s10 =	sld [smem:$0x3FAC];
	_ =	sdelay $0x3  }
0x36: {  	p1 =	seq.s32 s10, $0x1;
	s10 =	sld [smem:$0x3FAD];
	_ =	sdelay $0x3  }
0x37: {  	[smem:$0x3FAD] =	sst s10  }
0x38: {  	s10 =	sld [smem:$0x3FAE]  }
0x39: {  	_ = 	snop;
	(pc) =	sbr.ind lr, $3  }
0x3a: {  	_ = 	snop  }
0x3b: {  	_ = 	snop  }
0x3c: {  	p2 =	seq.s32 s10, $0x1;
	s10 =	sld [smem:$0x3FAD]  }
0x3d: {  	_ =	shalt  }
0x3e: {  	_ =	shalt  }
0x3f: {  	_ =	shalt  }
0x40: {  	_ =	shalt  }
0x41: {  	_ =	shalt  }
0x42: {  	_ =	shalt  }
0x43: {  	_ =	shalt  }
0x44: {  	_ =	shalt  }
0x45: {  	_ =	shalt  }
0x46: {  	_ =	shalt  }
0x47: {  	_ =	shalt  }
0x48: {  	_ =	shalt  }
0x49: {  	_ =	shalt  }
0x4a: {  	_ =	shalt  }
0x4b: {  	_ =	shalt  }
0x4c: {  	_ =	shalt  }
0x4d: {  	_ =	shalt  }
0x4e: {  	_ =	shalt  }
0x4f: {  	_ =	shalt  }
0x50: {  	_ =	shalt  }
0x51: {  	_ =	shalt  }
0x52: {  	_ =	shalt  }
0x53: {  	_ =	shalt  }
0x54: {  	_ =	shalt  }
0x55: {  	_ =	shalt  }
0x56: {  	_ =	shalt  }
0x57: {  	_ =	shalt  }
0x58: {  	_ =	shalt  }
0x59: {  	_ =	shalt  }
0x5a: {  	_ =	shalt  }
0x5b: {  	_ =	shalt  }
0x5c: {  	_ =	shalt  }
0x5d: {  	_ =	shalt  }
0x5e: {  	_ =	shalt  }
0x5f: {  	_ =	shalt  }
0x60: {  	_ =	shalt  }
0x61: {  	_ =	shalt  }
0x62: {  	_ =	shalt  }
0x63: {  	_ =	shalt  }
0x64: {  	_ =	shalt  }
0x65: {  	_ =	shalt  }
0x66: {  	_ =	shalt  }
0x67: {  	_ =	shalt  }
0x68: {  	_ =	shalt  }
0x69: {  	_ =	shalt  }
0x6a: {  	_ =	shalt  }
0x6b: {  	_ =	shalt  }
0x6c: {  	_ =	shalt  }
0x6d: {  	_ =	shalt  }
0x6e: {  	_ =	shalt  }
0x6f: {  	_ =	shalt  }
0x70: {  	_ =	shalt  }
0x71: {  	_ =	shalt  }
0x72: {  	_ =	shalt  }
0x73: {  	_ =	shalt  }
0x74: {  	_ =	shalt  }
0x75: {  	_ =	shalt  }
0x76: {  	_ =	shalt  }
0x77: {  	_ =	shalt  }
0x78: {  	_ =	shalt  }
0x79: {  	_ =	shalt  }
0x7a: {  	_ =	shalt  }
0x7b: {  	_ =	shalt  }
0x7c: {  	_ =	shalt  }
0x7d: {  	_ =	shalt  }
0x7e: {  	_ =	shalt  }
0x7f: {  	_ =	shalt  }
0x80: {  	_ =	shalt  }
0x81: {  	_ =	shalt  }
0x82: {  	_ =	shalt  }
0x83: {  	_ =	shalt  }
0x84: {  	_ =	shalt  }
0x85: {  	_ =	shalt  }
0x86: {  	_ =	shalt  }
0x87: {  	_ =	shalt  }
.Lfunc_end0:
.L_simem_size_0:
called_computation_lowered:
.L_overlay_start_0:
0x88: {  	s2 =	sld [smem:$0x3FD9]  }
0x89: {  	s3 =	sld [smem:$0x3FFE];
	_ =	sdelay $0x1  }
0x8a: {  	s1 =	srdreg.scid  }
0x8b: {  	s0 =	sand.u32 $0x1, s1  }
0x8c: {  	s17 =	sshll.u32 s0, $0xA;
	s2 =	sadd.s32 s3, s2  }
0x8d: {  	s2 =	sadd.s32 s2, s17  }
0x8e: {  	[smem:$0x3FB9] =	sst s2  }
0x8f: {  	_ = 	snop  }
0x90: {  	s2 =	sld [smem:$0x3FC9]  }
0x91: {  	s18 =	sld [smem:$0x3FC7]  }
0x92: {  	s4 =	sld [smem:$0x3FD0];
	(tm) =	ssettm $0x1  }
0x93: {  	s5 =	sld [smem:$0x3FFB];
	_ =	sdelay $0x3  }
0x94: {  	_ =	strace s5  }
0x95: {  	s5 =	sld [smem:$0x3FFC];
	_ =	sdelay $0x3  }
0x96: {  	_ =	strace s5  }
0x97: {  	s5 =	sld [smem:$0x3FFD];
	_ =	sdelay $0x3  }
0x98: {  	_ =	strace s5  }
0x99: {  	_ =	strace $0x8FFFFFFF  }
0x9a: {  	s19 =	sld [smem:$0x3FDB];
	_ =	sdelay $0x1  }
0x9b: {  	s6 =	simm.s32 $_scs_section_size  }
0x9c: {  	s7 =	simm.s32 $_size__tile_overlayer_lowered;
	s8 =	simm.s32 $_tile_overlayer_lowered  }
0x9d: {  	s22 =	simm.s32 $0x1BFF;
	s21 =	sshll.u32 s8, $0x1;
	s5 =	sadd.s32 s6, s19  }
0x9e: {  	s9 =	simm.s32 $0x0;
	s20 =	sshll.u32 s7, $0x1;
	s7 =	sadd.s32 s21, s5  }
0x9f: {  	[timem:s9], [sflag:s22] =	dma.local [hbm:s7], s20  }
0xa0: {  	_ =	swait.ge [sflag:s22], s20  }
0xa1: {  	s6 =	ssub.s32 $0x0, s20;
	[sflag:s22] =	ssyncset.done $0x0  }
0xa2: {  	[sflag:s22] =	ssyncadd.s32 s6;
	_ =	sdelay $0x1  }
0xa3: {  	s23 =	simm.s32 $0x1B8B  }
0xa4: {  	_ =	swait.ge [sflag:s23], $0x1  }
0xa5: {  	[sflag:s23] =	ssyncset.done $0x0  }
0xa6: {  	s25 =	simm.s32 $0x1B8E;
	s24 =	sld [smem:$0x3FFE];
	[sflag:s23] =	ssyncadd.s32 $0xFFFFFFFF  }
0xa7: {  	s26 =	simm.s32 $execute0_lowered;
	[smem:$0x3FD2] =	sst s25  }
0xa8: {  	s7 =	sshll.u32 s26, $0x1;
	_ =	strace $0x80000046;
	[dreg:$0x1] =	wrdreg $0xFFFFFFFF  }
0xa9: {  	s28 =	simm.s32 $_size_execute0_lowered;
	s5 =	sadd.s32 s5, s7;
	[dreg:$0x0] =	wrdreg $0x0  }
0xaa: {  	s7 =	sshll.u32 s28, $0x1;
	[dreg:$0x2] =	wrdreg s5  }
0xab: {  	[dreg:$0x3] =	wrdreg s7  }
0xac: {  	[dreg:$0x4] =	wrdreg $0xC0  }
0xad: {  	_ =	task [dreg:s9], $0x5FFFF  }
0xae: {  	[dreg:$0x1] =	wrdreg $0xFFFFFFFF  }
0xaf: {  	[dreg:$0x0] =	wrdreg $0x60  }
0xb0: {  	[dreg:$0x2] =	wrdreg s24  }
0xb1: {  	[dreg:$0x3] =	wrdreg s2  }
0xb2: {  	[dreg:$0x4] =	wrdreg s18  }
0xb3: {  	[dreg:$0x5] =	wrdreg s4  }
0xb4: {  	[dreg:$0x6] =	wrdreg $0x9  }
0xb5: {  	_ =	task.clear_ibuf [dreg:s9], $0x7FFFF;
	_ =	strace $0x90000046  }
0xb6: {  	s29 =	simm.s32 $0x9;
	_ =	strace $0x80000048  }
0xb7: {  	_ =	swait.ge [sflag:s29], $0x1  }
0xb8: {  	[sflag:s29] =	ssyncadd.s32 $0xFFFFFFFF  }
0xb9: {  	_ =	strace $0x90000048  }
0xba: {  	_ =	sfence  }
0xbb: {  	s30 =	sld [smem:$0x0];
	_ =	sdelay $0x2  }
0xbc: {  	s31 =	sshll.u32 s1, $0xD;
	s1 =	sshrl.u32 s1, $0x2  }
0xbd: {  	s3 =	sand.u32 $0x4000, s31;
	s1 =	sadd.s32 s1, s30  }
0xbe: {  	s0 =	sor.u32 s3, s0;
	s1 =	sshll.u32 s1, $0x11  }
0xbf: {  	s0 =	sor.u32 s1, s0  }
0xc0: {  	s0 =	sadd.s32 $0x8F2B, s0  }
0xc1: {  	[sflag:s0] =	ssyncadd.remote.s32 $0x1  }
0xc2: {  	_ =	sfence.sel $0xFFFF  }
0xc3: {  	[dreg:$0x0] =	wrdreg $0xFFFFFFFF;
	(pc) =	sbr.abs _section_cstart, $3  }
0xc4: {  	[dreg:$0x1] =	wrdreg $0xFFFFFFFF  }
0xc5: {  	_ =	task.clear_ibuf [dreg:s9], $0x2FFFF;
	_ =	strace $0x9FFFFFFF  }
0xc6: {  	(tm) =	ssettm $0x7FFFFFFF  }
0xc7: {  	_ =	shalt  }
tec
execute0_lowered:
.L_overlay_start_1:
0x0: {  	(tag) =	ssettag $0x1  }
0x1: {  	s0 =	rddreg [dreg:$0x0]  }
0x2: {  	s5 =	rddreg [dreg:$0x1]  }
0x3: {  	s12 =	rddreg [dreg:$0x2]  }
0x4: {  	s13 =	rddreg [dreg:$0x3];
	s1 =	simm.s32 $0x0;
	s9 =	srdreg.scid  }
0x5: {  	s10 =	stileid.u32;
	s16 =	simm.s32 $0x200;
	s17 =	simm.s32 $0x80  }
0x6: {  	s21 =	simm.s32 $0x280;
	s23 =	simm.s32 $0x100;
	s25 =	simm.s32 $0x300  }
0x7: {  	s28 =	simm.s32 $0x180;
	s30 =	simm.s32 $0x380;
	s19 =	simm.s32 $0x1380  }
0x8: {  	s20 =	simm.s32 $0x1;
	s22 =	simm.s32 $0x1400;
	s24 =	simm.s32 $0x0  }
0x9: {  	[smem:$0x7FF] =	sst s1;
	s2 =	sadd.s32 $0x5F800, s0;
	s3 =	sadd.s32 $0x7E800, s0  }
0xa: {  	s4 =	sadd.s32 $0x9D800, s0;
	s6 =	sadd.s32 $0xBC800, s0;
	s7 =	sadd.s32 $0xDB800, s0  }
0xb: {  	s8 =	sadd.s32 $0x2800, s0;
	s9 =	sand.u32 $0x1, s9;
	s10 =	sshll.u32 s10, $0xA  }
0xc: {  	_ =	strace $0x80000047;
	s11 =	ssub.s32 $0x2, s9;
	s14 =	sshll.u32 s9, $0x9  }
0xd: {  	s9 =	sadd.s32 $0x21800, s0;
	s15 =	sshrl.u32 s11, $0x1;
	s14 =	sor.u32 s14, s10  }
0xe: {  	s10 =	sadd.s32 $0x40800, s0;
	s26 =	ssub.s32 s11, s15;
	s29 =	sshrl.u32 s14, $0x3  }
0xf: {  	s31 =	sshrl.u32 s14, $0x1;
	s15 =	simm.s32 $0x2;
	s11 =	sadd.s32 s5, s29  }
0x10: {  	s12 =	sadd.s32 s12, s29;
	s13 =	sadd.s32 s13, s31;
	s14 =	smax.u32 s26, $0x1  }
.LBB2_1:
0x11: {  	[tilespmem:s1], [sflag:$0x2] =	stream.linear.gather [hbm4b:s11+s1], $0x200, $0x38;
	[tilespmem:$0x1C00] =	vst v63  }
0x12: {  	_ =	swait.ge [sflag:s15], $0x200  }
0x13: {  	[sflag:s15] =	ssyncset.done $0x0  }
0x14: {  	[sflag:s15] =	ssyncadd.s32 $0xFFFFFE00  }
0x15: {  	[tilespmem:s16], [sflag:$0x2] =	stream.linear.gather [hbm4b:s12+s1], $0x200, $0x38;
	[tilespmem:$0x1C00] =	vst v63  }
0x16: {  	_ =	swait.ge [sflag:s15], $0x200  }
0x17: {  	[sflag:s15] =	ssyncset.done $0x0  }
0x18: {  	s0 =	simm.s32 $0x400;
	[sflag:s15] =	ssyncadd.s32 $0xFFFFFE00  }
0x19: {  	[tilespmem:s0], [sflag:$0x1] =	stream.indirect.gather [hbm4b:s2+s17], $0x1, s1, s17, $0xb8;
	[tilespmem:$0x1C00] =	vst v63  }
0x1a: {  	s5 =	simm.s32 $0xC00  }
0x1b: {  	[tilespmem:s5], [sflag:$0x1] =	stream.indirect.gather [hbm4b:s7+s17], $0x1, s16, s17, $0xb8;
	[tilespmem:$0x1C00] =	vst v63  }
0x1c: {  	s18 =	simm.s32 $0x600  }
0x1d: {  	[tilespmem:s18], [sflag:$0x1] =	stream.indirect.gather [hbm4b:s2+s17], $0x1, s17, s17, $0xb8;
	[tilespmem:$0x1C00] =	vst v63  }
0x1e: {  	s26 =	simm.s32 $0xE00  }
0x1f: {  	[tilespmem:s26], [sflag:$0x1] =	stream.indirect.gather [hbm4b:s7+s17], $0x1, s21, s17, $0xb8;
	[tilespmem:$0x1C00] =	vst v63  }
0x20: {  	s5 =	simm.s32 $0x800  }
0x21: {  	[tilespmem:s5], [sflag:$0x1] =	stream.indirect.gather [hbm4b:s2+s17], $0x1, s23, s17, $0xb8;
	[tilespmem:$0x1C00] =	vst v63  }
0x22: {  	s18 =	simm.s32 $0x1000  }
0x23: {  	[tilespmem:s18], [sflag:$0x1] =	stream.indirect.gather [hbm4b:s7+s17], $0x1, s25, s17, $0xb8;
	[tilespmem:$0x1C00] =	vst v63  }
0x24: {  	s26 =	simm.s32 $0xA00  }
0x25: {  	[tilespmem:s26], [sflag:$0x1] =	stream.indirect.gather [hbm4b:s2+s17], $0x1, s28, s17, $0xb8;
	[tilespmem:$0x1C00] =	vst v63  }
0x26: {  	s5 =	simm.s32 $0x1200  }
0x27: {  	[tilespmem:s5], [sflag:$0x1] =	stream.indirect.gather [hbm4b:s7+s17], $0x1, s30, s17, $0xb8;
	[tilespmem:$0x1C00] =	vst v63  }
0x28: {  	s18 =	simm.s32 $0x480  }
0x29: {  	[tilespmem:s18], [sflag:$0x1] =	stream.indirect.gather [hbm4b:s3+s17], $0x1, s1, s17, $0xb8;
	[tilespmem:$0x1C00] =	vst v63  }
0x2a: {  	s26 =	simm.s32 $0xC80  }
0x2b: {  	[tilespmem:s26], [sflag:$0x1] =	stream.indirect.gather [hbm4b:s8+s17], $0x1, s16, s17, $0xb8;
	[tilespmem:$0x1C00] =	vst v63  }
0x2c: {  	s5 =	simm.s32 $0x680  }
0x2d: {  	[tilespmem:s5], [sflag:$0x1] =	stream.indirect.gather [hbm4b:s3+s17], $0x1, s17, s17, $0xb8;
	[tilespmem:$0x1C00] =	vst v63  }
0x2e: {  	s18 =	simm.s32 $0xE80  }
0x2f: {  	[tilespmem:s18], [sflag:$0x1] =	stream.indirect.gather [hbm4b:s8+s17], $0x1, s21, s17, $0xb8;
	[tilespmem:$0x1C00] =	vst v63  }
0x30: {  	s26 =	simm.s32 $0x880  }
0x31: {  	[tilespmem:s26], [sflag:$0x1] =	stream.indirect.gather [hbm4b:s3+s17], $0x1, s23, s17, $0xb8;
	[tilespmem:$0x1C00] =	vst v63  }
0x32: {  	s5 =	simm.s32 $0x1080  }
0x33: {  	[tilespmem:s5], [sflag:$0x1] =	stream.indirect.gather [hbm4b:s8+s17], $0x1, s25, s17, $0xb8;
	[tilespmem:$0x1C00] =	vst v63  }
0x34: {  	s18 =	simm.s32 $0xA80  }
0x35: {  	[tilespmem:s18], [sflag:$0x1] =	stream.indirect.gather [hbm4b:s3+s17], $0x1, s28, s17, $0xb8;
	[tilespmem:$0x1C00] =	vst v63  }
0x36: {  	s26 =	simm.s32 $0x1280  }
0x37: {  	[tilespmem:s26], [sflag:$0x1] =	stream.indirect.gather [hbm4b:s8+s17], $0x1, s30, s17, $0xb8;
	[tilespmem:$0x1C00] =	vst v63  }
0x38: {  	s5 =	simm.s32 $0x500  }
0x39: {  	[tilespmem:s5], [sflag:$0x1] =	stream.indirect.gather [hbm4b:s4+s17], $0x1, s1, s17, $0xb8;
	[tilespmem:$0x1C00] =	vst v63  }
0x3a: {  	s18 =	simm.s32 $0xD00  }
0x3b: {  	[tilespmem:s18], [sflag:$0x1] =	stream.indirect.gather [hbm4b:s9+s17], $0x1, s16, s17, $0xb8;
	[tilespmem:$0x1C00] =	vst v63  }
0x3c: {  	s26 =	simm.s32 $0x700  }
0x3d: {  	[tilespmem:s26], [sflag:$0x1] =	stream.indirect.gather [hbm4b:s4+s17], $0x1, s17, s17, $0xb8;
	[tilespmem:$0x1C00] =	vst v63  }
0x3e: {  	s5 =	simm.s32 $0xF00  }
0x3f: {  	[tilespmem:s5], [sflag:$0x1] =	stream.indirect.gather [hbm4b:s9+s17], $0x1, s21, s17, $0xb8;
	[tilespmem:$0x1C00] =	vst v63  }
0x40: {  	s18 =	simm.s32 $0x900  }
0x41: {  	[tilespmem:s18], [sflag:$0x1] =	stream.indirect.gather [hbm4b:s4+s17], $0x1, s23, s17, $0xb8;
	[tilespmem:$0x1C00] =	vst v63  }
0x42: {  	s26 =	simm.s32 $0x1100  }
0x43: {  	[tilespmem:s26], [sflag:$0x1] =	stream.indirect.gather [hbm4b:s9+s17], $0x1, s25, s17, $0xb8;
	[tilespmem:$0x1C00] =	vst v63  }
0x44: {  	s5 =	simm.s32 $0xB00  }
0x45: {  	[tilespmem:s5], [sflag:$0x1] =	stream.indirect.gather [hbm4b:s4+s17], $0x1, s28, s17, $0xb8;
	[tilespmem:$0x1C00] =	vst v63  }
0x46: {  	s18 =	simm.s32 $0x1300  }
0x47: {  	[tilespmem:s18], [sflag:$0x1] =	stream.indirect.gather [hbm4b:s9+s17], $0x1, s30, s17, $0xb8;
	[tilespmem:$0x1C00] =	vst v63  }
0x48: {  	s26 =	simm.s32 $0x580  }
0x49: {  	[tilespmem:s26], [sflag:$0x1] =	stream.indirect.gather [hbm4b:s6+s17], $0x1, s1, s17, $0xb8;
	[tilespmem:$0x1C00] =	vst v63  }
0x4a: {  	s5 =	simm.s32 $0xD80  }
0x4b: {  	[tilespmem:s5], [sflag:$0x1] =	stream.indirect.gather [hbm4b:s10+s17], $0x1, s16, s17, $0xb8;
	[tilespmem:$0x1C00] =	vst v63  }
0x4c: {  	s18 =	simm.s32 $0x780  }
0x4d: {  	[tilespmem:s18], [sflag:$0x1] =	stream.indirect.gather [hbm4b:s6+s17], $0x1, s17, s17, $0xb8;
	[tilespmem:$0x1C00] =	vst v63  }
0x4e: {  	s26 =	simm.s32 $0xF80  }
0x4f: {  	[tilespmem:s26], [sflag:$0x1] =	stream.indirect.gather [hbm4b:s10+s17], $0x1, s21, s17, $0xb8;
	[tilespmem:$0x1C00] =	vst v63  }
0x50: {  	s5 =	simm.s32 $0x980  }
0x51: {  	[tilespmem:s5], [sflag:$0x1] =	stream.indirect.gather [hbm4b:s6+s17], $0x1, s23, s17, $0xb8;
	[tilespmem:$0x1C00] =	vst v63  }
0x52: {  	s18 =	simm.s32 $0x1180  }
0x53: {  	[tilespmem:s18], [sflag:$0x1] =	stream.indirect.gather [hbm4b:s10+s17], $0x1, s25, s17, $0xb8;
	[tilespmem:$0x1C00] =	vst v63  }
0x54: {  	s26 =	simm.s32 $0xB80  }
0x55: {  	[tilespmem:s26], [sflag:$0x1] =	stream.indirect.gather [hbm4b:s6+s17], $0x1, s28, s17, $0xb8;
	[tilespmem:$0x1C00] =	vst v63  }
0x56: {  	_ = 	snop  }
0x57: {  	[tilespmem:s19], [sflag:$0x1] =	stream.indirect.gather [hbm4b:s10+s17], $0x1, s30, s17, $0xb8;
	[tilespmem:$0x1C00] =	vst v63  }
0x58: {  	_ =	swait.ge [sflag:s20], $0x200  }
0x59: {  	[sflag:s20] =	ssyncset.done $0x0  }
0x5a: {  	[sflag:s20] =	ssyncadd.s32 $0xFFFFFE00  }
0x5b: {  	_ =	swait.ge [sflag:s20], $0x200  }
0x5c: {  	[sflag:s20] =	ssyncset.done $0x0  }
0x5d: {  	[sflag:s20] =	ssyncadd.s32 $0xFFFFFE00  }
0x5e: {  	_ =	swait.ge [sflag:s20], $0x200  }
0x5f: {  	[sflag:s20] =	ssyncset.done $0x0  }
0x60: {  	[sflag:s20] =	ssyncadd.s32 $0xFFFFFE00  }
0x61: {  	_ =	swait.ge [sflag:s20], $0x200  }
0x62: {  	[sflag:s20] =	ssyncset.done $0x0  }
0x63: {  	[sflag:s20] =	ssyncadd.s32 $0xFFFFFE00  }
0x64: {  	_ =	swait.ge [sflag:s20], $0x200  }
0x65: {  	[sflag:s20] =	ssyncset.done $0x0  }
0x66: {  	[sflag:s20] =	ssyncadd.s32 $0xFFFFFE00  }
0x67: {  	_ =	swait.ge [sflag:s20], $0x200  }
0x68: {  	[sflag:s20] =	ssyncset.done $0x0  }
0x69: {  	[sflag:s20] =	ssyncadd.s32 $0xFFFFFE00  }
0x6a: {  	_ =	swait.ge [sflag:s20], $0x200  }
0x6b: {  	[sflag:s20] =	ssyncset.done $0x0  }
0x6c: {  	[sflag:s20] =	ssyncadd.s32 $0xFFFFFE00  }
0x6d: {  	_ =	swait.ge [sflag:s20], $0x200  }
0x6e: {  	s29 =	sand.u32 $0x600, s1;
	s26 =	sand.u32 $0x70, s1;
	[sflag:s20] =	ssyncset.done $0x0  }
0x6f: {  	s26 =	sor.u32 s26, s29;
	[sflag:s20] =	ssyncadd.s32 $0xFFFFFE00  }
0x70: {  	v0 =	vld [tilespmem:s26+$0x500]  }
0x71: {  	v1 =	vld [tilespmem:s26+$0xC00]  }
0x72: {  	v2 =	vld [tilespmem:s26+$0xC80]  }
0x73: {  	v3 =	vld [tilespmem:s26+$0x400]  }
0x74: {  	v4 =	vld [tilespmem:s26+$0xD00]  }
0x75: {  	v5 =	vld [tilespmem:s26+$0x480];
	_ =	sdelay $0x2  }
0x76: {  	v1 =	vadd.f32 v1, v3  }
0x77: {  	v0 =	vadd.f32 v4, v0  }
0x78: {  	[tilespmem:s26+$0x1400] =	vst v1;
	v1 =	vadd.f32 v2, v5  }
0x79: {  	s29 =	sor.u32 s29, s1;
	[tilespmem:s26+$0x1500] =	vst v0  }
0x7a: {  	s31 =	sor.u32 $0x180, s29;
	[tilespmem:s26+$0x1480] =	vst v1  }
0x7b: {  	v0 =	vld [tilespmem:s31+$0x400]  }
0x7c: {  	s29 =	simm.s32 $0x0;
	s26 =	simm.s32 $0x10;
	v1 =	vld [tilespmem:s31+$0xC00]  }
.LBB2_2:
0x7d: {  	p0 =	sne.s32 s26, $0x1F0  }
0x7e: {  	s29 =	sadd.s32 $0x40, s29;
	s0 =	smov.u32 s26;
	s26 =	sadd.s32 $0x10, s26  }
0x7f: {  	_ =	sdelay $0x2  }
0x80: {  	v0 =	vadd.f32 v1, v0  }
0x81: {  	s5 =	sand.u32 $0x70, s0;
	s18 =	sand.u32 $0x600, s29  }
0x82: {  	s5 =	sor.u32 s5, s18;
	s0 =	sor.u32 s18, s0;
	[tilespmem:s31+$0x1400] =	vst v0  }
0x83: {  	v0 =	vld [tilespmem:s5+$0x500]  }
0x84: {  	v1 =	vld [tilespmem:s5+$0xC00]  }
0x85: {  	v2 =	vld [tilespmem:s5+$0xC80]  }
0x86: {  	v3 =	vld [tilespmem:s5+$0x400]  }
0x87: {  	v4 =	vld [tilespmem:s5+$0xD00]  }
0x88: {  	v5 =	vld [tilespmem:s5+$0x480];
	_ =	sdelay $0x2  }
0x89: {  	v1 =	vadd.f32 v1, v3  }
0x8a: {  	v0 =	vadd.f32 v4, v0  }
.Ltmp0:
0x8b: {  	[tilespmem:s5+$0x1400] =	vst v1;
	v1 =	vadd.f32 v2, v5;
	(pc) =	sbr.rel @p0 .LBB2_2-.Ltmp0, $4  }
0x8c: {  	[tilespmem:s5+$0x1500] =	vst v0  }
0x8d: {  	s31 =	sor.u32 $0x180, s0;
	[tilespmem:s5+$0x1480] =	vst v1  }
0x8e: {  	v0 =	vld [tilespmem:s31+$0x400]  }
0x8f: {  	v1 =	vld [tilespmem:s31+$0xC00]  }
0x90: {  	_ =	sdelay $0x3  }
0x91: {  	s24 =	sadd.s32 $0x1, s24;
	v0 =	vadd.f32 v1, v0  }
0x92: {  	p0 =	sne.s32 s24, s14  }
.Ltmp1:
0x93: {  	[tilespmem:s31+$0x1400] =	vst v0;
	(pc) =	sbr.rel @p0 .LBB2_1-.Ltmp1, $4  }
0x94: {  	[hbm4b:s13+s1] =	stream.linear.scatter [tilespmem:s22], [sflag:$0x2], $0x800, $0x38;
	[tilespmem:$0x1C00] =	vst v63  }
0x95: {  	_ =	swait.ge [sflag:s15], $0x800  }
0x96: {  	[sflag:s15] =	ssyncset.done $0x0  }
0x97: {  	[sflag:s15] =	ssyncadd.s32 $0xFFFFF800  }
0x98: {  	_ =	sfence.sel $0x180000  }
0x99: {  	[bflag:$0x0] =	sbarrier.arrive $0xFFFF  }
0x9a: {  	_ =	strace $0x90000047  }
0x9b: {  	s0 =	stileid.u32;
	[bflag:$0x2] =	sbarrier.arrive $0xFFFF  }
0x9c: {  	p0 =	sne.s32 s0, $0x0;
	s0 =	rddreg [dreg:$0x4]  }
0x9d: {  	s0 =	sadd.s32 @!p0 $0x100000, s0  }
0x9e: {  	[sflag:s0] =	ssyncadd.tile.s32 @!p0 $0x1;
	_ =	shalt  }
.Lfunc_end2:
_tile_overlayer_lowered:
.L_overlay_start_2:
0x9f: {  	(tag) =	ssettag $0x2  }
0xa0: {  	s0 =	rddreg [dreg:$0x0];
	s2 =	stileid.u32  }
0xa1: {  	s1 =	rddreg [dreg:$0x1];
	p0 =	sne.s32 s2, $0x0  }
0xa2: {  	s3 =	rddreg [dreg:$0x2];
	[bflag:$0x3] =	sbarrier.arrive $0xFFFF;
	s2 =	simm.s32 @!p0 $0x1C02  }
0xa3: {  	[timem:s3], [sflag:s2] =	dma.local @!p0 [hbm:s0], s1  }
0xa4: {  	s0 =	simm.s32 @!p0 $0x2  }
0xa5: {  	_ =	swait.ge @!p0 [sflag:s0], s1  }
0xa6: {  	s1 =	ssub.s32 @!p0 $0x0, s1;
	[sflag:s0] =	ssyncset.done @!p0 $0x0  }
0xa7: {  	[sflag:s0] =	ssyncadd.s32 @!p0 s1  }
0xa8: {  	[bflag:$0x3] =	sbarrier.arrive $0xFFFF  }
0xa9: {  	_ =	shalt  }

</sc_bundles>
